<compile_context>
chip_gen: v7x
topology: tpu7x:2x2x1
jax: 0.10.2.dev20260603
libtpu: 0.0.44.dev20260713+nightly
codegen_flags: <defaults>
</compile_context>

<pallas_src>
import functools

import jax
import jax.numpy as jnp
from jax import lax
from jax.experimental import pallas as pl
from jax.experimental.pallas import tpu as pltpu
from jax.experimental.pallas import tpu_sc as plsc

VOCAB = 1000000
EMBED = 64
BATCH = 4096
SEQ = 200

NC = 2
NS = 16
NW = NC * NS

TOTAL = BATCH * SEQ
PER_W = TOTAL // NW
CHUNK = 800
STEPS = PER_W // CHUNK


def _make_kernel():
  mesh = plsc.VectorSubcoreMesh(
      core_axis_name="c", subcore_axis_name="s",
      num_cores=NC, num_subcores=NS)

  @functools.partial(
      pl.kernel,
      out_type=jax.ShapeDtypeStruct((TOTAL, EMBED), jnp.float32),
      mesh=mesh,
      scratch_types=[
          pltpu.VMEM((PER_W,), jnp.int32),
          pltpu.VMEM((2, CHUNK, EMBED), jnp.float32),
          pltpu.SemaphoreType.DMA((2,)),
          pltpu.SemaphoreType.DMA((2,)),
      ],
      compiler_params=pltpu.CompilerParams(use_tc_tiling_on_sc=False),
  )
  def emb_kernel(idx_hbm, table_hbm, out_hbm, idx_v, rows_v, gsem, osem):
    wid = lax.axis_index("s") * NC + lax.axis_index("c")
    base = wid * PER_W

    def idx_slice(i):
      return idx_v.at[pl.ds(i * CHUNK, CHUNK)]

    def out_slice(i):
      return out_hbm.at[pl.ds(base + i * CHUNK, CHUNK)]

    K = 10
    SUB = CHUNK // K

    def start_gather(i, b):
      for k in range(K):
        pltpu.async_copy(
            table_hbm.at[idx_v.at[pl.ds(i * CHUNK + k * SUB, SUB)]],
            rows_v.at[b, pl.ds(k * SUB, SUB)], gsem.at[b])

    def wait_gather(i, b):
      for k in range(K):
        pltpu.make_async_copy(
            table_hbm.at[idx_v.at[pl.ds(i * CHUNK + k * SUB, SUB)]],
            rows_v.at[b, pl.ds(k * SUB, SUB)], gsem.at[b]).wait()

    def start_store(i, b):
      pltpu.async_copy(rows_v.at[b], out_slice(i), osem.at[b])

    def wait_store(i, b):
      pltpu.make_async_copy(rows_v.at[b], out_slice(i), osem.at[b]).wait()

    pltpu.sync_copy(idx_hbm.at[pl.ds(base, PER_W)], idx_v)

    start_gather(0, 0)
    wait_gather(0, 0)
    start_store(0, 0)
    start_gather(1, 1)

    def step(i, _):
      b = lax.rem(i, 2)
      pb = 1 - b
      wait_gather(i - 1, pb)
      start_store(i - 1, pb)
      wait_store(i - 2, b)
      start_gather(i, b)
      return ()

    lax.fori_loop(2, STEPS, step, ())

    last = STEPS - 1
    lb = last % 2
    wait_gather(last, lb)
    start_store(last, lb)
    wait_store(last - 1, 1 - lb)
    wait_store(last, lb)

  return emb_kernel


_emb = _make_kernel()


@jax.jit
def kernel(inputs, table):
  flat_idx = inputs.reshape(TOTAL)
  out = _emb(flat_idx, table)
  return out.reshape(BATCH, SEQ, EMBED)

# --- scband reference (transcript-rebuilt; emitter-appended) ---
"""Pipeline reference for scband-token-embedding-12996571038518 (READ-ONLY COPY).

The authoritative reference and input builder live on the scoring server;
editing this copy changes nothing except your own understanding.
"""

import jax, jax.numpy as jnp
import numpy as np

VOCAB = 1000000
EMBED = 64
BATCH = 4096
SEQ = 200

def setup_inputs(seed: int = 0) -> dict:
    key = jax.random.key(seed)
    k_idx, k_tab = jax.random.split(key)
    inputs = jax.random.randint(k_idx, (BATCH, SEQ), 0, VOCAB, dtype=jnp.int64 if jax.config.jax_enable_x64 else jnp.int32)
    table = jax.random.normal(k_tab, (VOCAB, EMBED), dtype=jnp.float32) * 0.05
    return {"inputs": inputs, "table": table}

def reference(inputs, table):
    # token embedding: gather rows from table
    return jnp.take(table, inputs, axis=0)

if __name__ == "__main__":
    import jax
    _d = setup_inputs()
    print(jax.jit(kernel)(*tuple(_d.values())))

</pallas_src>

<mosaic_0001>
#map = affine_map<(d0, d1) -> (0)>
#map1 = affine_map<(d0, d1) -> (0, 0)>
module attributes {stable_mosaic.version = 14 : i64} {
  func.func @emb_kernel(%arg0: i32, %arg1: i32, %arg2: memref<819200xi32, #tpu.memory_space<hbm>>, %arg3: memref<1000000x64xf32, #tpu.memory_space<hbm>>, %arg4: memref<819200x64xf32, #tpu.memory_space<hbm>>, %arg5: memref<25600xi32, #tpu.memory_space<vmem>>, %arg6: memref<2x800x64xf32, #tpu.memory_space<vmem>>, %arg7: memref<2x!tpu.dma_semaphore, #tpu.memory_space<semaphore_mem>>, %arg8: memref<2x!tpu.dma_semaphore, #tpu.memory_space<semaphore_mem>>) attributes {dimension_semantics = [#tpu.dimension_semantics<core_parallel>, #tpu.dimension_semantics<subcore_parallel>], iteration_bounds = array<i64: 2, 16>, scalar_prefetch = 0 : i64, scratch_operands = 4 : i64, tpu.core_type = #tpu.core_type<sc_vector_subcore>, window_params = [{transform_indices = #map}, {transform_indices = #map1}, {transform_indices = #map1}]} {
    %mul3A = arith.constant 2 : i32
    %mul3A_0 = arith.muli %arg1, %mul3A : i32
    %add3A = arith.addi %mul3A_0, %arg0 : i32
    %mul3A_1 = arith.constant 25600 : i32
    %mul3A_2 = arith.muli %add3A, %mul3A_1 : i32
    "tpu.region"() ({
      %run_scoped3A = tpu.sem_alloc : memref<!tpu.dma_semaphore, #tpu.memory_space<semaphore_mem>>
      %dma_start3A_597 = tpu.memref_slice %arg2[%mul3A_2] : memref<819200xi32, #tpu.memory_space<hbm>> -> memref<25600xi32, #tpu.memory_space<hbm>>
      %dma_start3A_598 = tpu.memref_slice %arg2[%mul3A_2] : memref<819200xi32, #tpu.memory_space<hbm>> -> memref<25600xi32, #tpu.memory_space<hbm>>
      tpu.enqueue_dma source(%dma_start3A_598 : memref<25600xi32, #tpu.memory_space<hbm>>) target(%arg5 : memref<25600xi32, #tpu.memory_space<vmem>>) target_semaphore(%run_scoped3A : memref<!tpu.dma_semaphore, #tpu.memory_space<semaphore_mem>>)
      %dma_wait3A_599 = tpu.memref_slice %arg2[%mul3A_2] : memref<819200xi32, #tpu.memory_space<hbm>> -> memref<25600xi32, #tpu.memory_space<hbm>>
      %dma_wait3A_600 = tpu.memref_slice %arg2[%mul3A_2] : memref<819200xi32, #tpu.memory_space<hbm>> -> memref<25600xi32, #tpu.memory_space<hbm>>
      tpu.wait_dma2 semaphore(%run_scoped3A : memref<!tpu.dma_semaphore, #tpu.memory_space<semaphore_mem>>) src(%dma_wait3A_600 : memref<25600xi32, #tpu.memory_space<hbm>>) dst(%arg5 : memref<25600xi32, #tpu.memory_space<vmem>>)
      tpu.yield
    }) : () -> ()
    %dma_start3A = arith.constant 0 : i32
    %dma_start3A_3 = arith.constant 0 : i32
    %dma_start3A_4 = arith.constant 0 : i32
    %dma_start3A_5 = arith.constant 0 : i32
    %dma_start3A_6 = tpu.memref_slice %arg6[%dma_start3A, %dma_start3A_4, %dma_start3A_5] : memref<2x800x64xf32, #tpu.memory_space<vmem>> -> memref<1x80x64xf32, #tpu.memory_space<vmem>>
    %dma_start3A_7 = tpu.memref_squeeze %dma_start3A_6 : memref<1x80x64xf32, #tpu.memory_space<vmem>> -> memref<80x64xf32, #tpu.memory_space<vmem>>
    %dma_start3A_8 = arith.constant 0 : i32
    %dma_start3A_9 = tpu.memref_slice %arg5[%dma_start3A_8] : memref<25600xi32, #tpu.memory_space<vmem>> -> memref<80xi32, #tpu.memory_space<vmem>>
    %dma_start3A_10 = arith.constant 0 : i32
    %dma_start3A_11 = arith.constant 0 : i32
    %dma_start3A_12 = tpu.memref_slice %arg3[%dma_start3A_10, %dma_start3A_11] : memref<1000000x64xf32, #tpu.memory_space<hbm>> -> memref<1000000x64xf32, #tpu.memory_space<hbm>>
    %dma_start3A_13 = tpu.memref_slice %arg7[%dma_start3A_3] : memref<2x!tpu.dma_semaphore, #tpu.memory_space<semaphore_mem>> -> memref<1x!tpu.dma_semaphore, #tpu.memory_space<semaphore_mem>>
    %dma_start3A_14 = tpu.memref_squeeze %dma_start3A_13 : memref<1x!tpu.dma_semaphore, #tpu.memory_space<semaphore_mem>> -> memref<!tpu.dma_semaphore, #tpu.memory_space<semaphore_mem>>
    tpu.enqueue_indirect_dma source(%dma_start3A_12 : memref<1000000x64xf32, #tpu.memory_space<hbm>>) target(%dma_start3A_7 : memref<80x64xf32, #tpu.memory_space<vmem>>) offsets(%dma_start3A_9 : memref<80xi32, #tpu.memory_space<vmem>>) semaphore(%dma_start3A_14 : memref<!tpu.dma_semaphore, #tpu.memory_space<semaphore_mem>>)
    %dma_start3A_15 = arith.constant 0 : i32
    %dma_start3A_16 = arith.constant 0 : i32
    %dma_start3A_17 = arith.constant 80 : i32
    %dma_start3A_18 = arith.constant 0 : i32
    %dma_start3A_19 = tpu.memref_slice %arg6[%dma_start3A_15, %dma_start3A_17, %dma_start3A_18] : memref<2x800x64xf32, #tpu.memory_space<vmem>> -> memref<1x80x64xf32, #tpu.memory_space<vmem>>
    %dma_start3A_20 = tpu.memref_squeeze %dma_start3A_19 : memref<1x80x64xf32, #tpu.memory_space<vmem>> -> memref<80x64xf32, #tpu.memory_space<vmem>>
    %dma_start3A_21 = arith.constant 80 : i32
    %dma_start3A_22 = tpu.memref_slice %arg5[%dma_start3A_21] : memref<25600xi32, #tpu.memory_space<vmem>> -> memref<80xi32, #tpu.memory_space<vmem>>
    %dma_start3A_23 = arith.constant 0 : i32
    %dma_start3A_24 = arith.constant 0 : i32
    %dma_start3A_25 = tpu.memref_slice %arg3[%dma_start3A_23, %dma_start3A_24] : memref<1000000x64xf32, #tpu.memory_space<hbm>> -> memref<1000000x64xf32, #tpu.memory_space<hbm>>
    %dma_start3A_26 = tpu.memref_slice %arg7[%dma_start3A_16] : memref<2x!tpu.dma_semaphore, #tpu.memory_space<semaphore_mem>> -> memref<1x!tpu.dma_semaphore, #tpu.memory_space<semaphore_mem>>
    %dma_start3A_27 = tpu.memref_squeeze %dma_start3A_26 : memref<1x!tpu.dma_semaphore, #tpu.memory_space<semaphore_mem>> -> memref<!tpu.dma_semaphore, #tpu.memory_space<semaphore_mem>>
    tpu.enqueue_indirect_dma source(%dma_start3A_25 : memref<1000000x64xf32, #tpu.memory_space<hbm>>) target(%dma_start3A_20 : memref<80x64xf32, #tpu.memory_space<vmem>>) offsets(%dma_start3A_22 : memref<80xi32, #tpu.memory_space<vmem>>) semaphore(%dma_start3A_27 : memref<!tpu.dma_semaphore, #tpu.memory_space<semaphore_mem>>)
    %dma_start3A_28 = arith.constant 0 : i32
    %dma_start3A_29 = arith.constant 0 : i32
    %dma_start3A_30 = arith.constant 160 : i32
    %dma_start3A_31 = arith.constant 0 : i32
    %dma_start3A_32 = tpu.memref_slice %arg6[%dma_start3A_28, %dma_start3A_30, %dma_start3A_31] : memref<2x800x64xf32, #tpu.memory_space<vmem>> -> memref<1x80x64xf32, #tpu.memory_space<vmem>>
    %dma_start3A_33 = tpu.memref_squeeze %dma_start3A_32 : memref<1x80x64xf32, #tpu.memory_space<vmem>> -> memref<80x64xf32, #tpu.memory_space<vmem>>
    %dma_start3A_34 = arith.constant 160 : i32
    %dma_start3A_35 = tpu.memref_slice %arg5[%dma_start3A_34] : memref<25600xi32, #tpu.memory_space<vmem>> -> memref<80xi32, #tpu.memory_space<vmem>>
    %dma_start3A_36 = arith.constant 0 : i32
    %dma_start3A_37 = arith.constant 0 : i32
    %dma_start3A_38 = tpu.memref_slice %arg3[%dma_start3A_36, %dma_start3A_37] : memref<1000000x64xf32, #tpu.memory_space<hbm>> -> memref<1000000x64xf32, #tpu.memory_space<hbm>>
    %dma_start3A_39 = tpu.memref_slice %arg7[%dma_start3A_29] : memref<2x!tpu.dma_semaphore, #tpu.memory_space<semaphore_mem>> -> memref<1x!tpu.dma_semaphore, #tpu.memory_space<semaphore_mem>>
    %dma_start3A_40 = tpu.memref_squeeze %dma_start3A_39 : memref<1x!tpu.dma_semaphore, #tpu.memory_space<semaphore_mem>> -> memref<!tpu.dma_semaphore, #tpu.memory_space<semaphore_mem>>
    tpu.enqueue_indirect_dma source(%dma_start3A_38 : memref<1000000x64xf32, #tpu.memory_space<hbm>>) target(%dma_start3A_33 : memref<80x64xf32, #tpu.memory_space<vmem>>) offsets(%dma_start3A_35 : memref<80xi32, #tpu.memory_space<vmem>>) semaphore(%dma_start3A_40 : memref<!tpu.dma_semaphore, #tpu.memory_space<semaphore_mem>>)
    %dma_start3A_41 = arith.constant 0 : i32
    %dma_start3A_42 = arith.constant 0 : i32
    %dma_start3A_43 = arith.constant 240 : i32
    %dma_start3A_44 = arith.constant 0 : i32
    %dma_start3A_45 = tpu.memref_slice %arg6[%dma_start3A_41, %dma_start3A_43, %dma_start3A_44] : memref<2x800x64xf32, #tpu.memory_space<vmem>> -> memref<1x80x64xf32, #tpu.memory_space<vmem>>
    %dma_start3A_46 = tpu.memref_squeeze %dma_start3A_45 : memref<1x80x64xf32, #tpu.memory_space<vmem>> -> memref<80x64xf32, #tpu.memory_space<vmem>>
    %dma_start3A_47 = arith.constant 240 : i32
    %dma_start3A_48 = tpu.memref_slice %arg5[%dma_start3A_47] : memref<25600xi32, #tpu.memory_space<vmem>> -> memref<80xi32, #tpu.memory_space<vmem>>
    %dma_start3A_49 = arith.constant 0 : i32
    %dma_start3A_50 = arith.constant 0 : i32
    %dma_start3A_51 = tpu.memref_slice %arg3[%dma_start3A_49, %dma_start3A_50] : memref<1000000x64xf32, #tpu.memory_space<hbm>> -> memref<1000000x64xf32, #tpu.memory_space<hbm>>
    %dma_start3A_52 = tpu.memref_slice %arg7[%dma_start3A_42] : memref<2x!tpu.dma_semaphore, #tpu.memory_space<semaphore_mem>> -> memref<1x!tpu.dma_semaphore, #tpu.memory_space<semaphore_mem>>
    %dma_start3A_53 = tpu.memref_squeeze %dma_start3A_52 : memref<1x!tpu.dma_semaphore, #tpu.memory_space<semaphore_mem>> -> memref<!tpu.dma_semaphore, #tpu.memory_space<semaphore_mem>>
    tpu.enqueue_indirect_dma source(%dma_start3A_51 : memref<1000000x64xf32, #tpu.memory_space<hbm>>) target(%dma_start3A_46 : memref<80x64xf32, #tpu.memory_space<vmem>>) offsets(%dma_start3A_48 : memref<80xi32, #tpu.memory_space<vmem>>) semaphore(%dma_start3A_53 : memref<!tpu.dma_semaphore, #tpu.memory_space<semaphore_mem>>)
    %dma_start3A_54 = arith.constant 0 : i32
    %dma_start3A_55 = arith.constant 0 : i32
    %dma_start3A_56 = arith.constant 320 : i32
    %dma_start3A_57 = arith.constant 0 : i32
    %dma_start3A_58 = tpu.memref_slice %arg6[%dma_start3A_54, %dma_start3A_56, %dma_start3A_57] : memref<2x800x64xf32, #tpu.memory_space<vmem>> -> memref<1x80x64xf32, #tpu.memory_space<vmem>>
    %dma_start3A_59 = tpu.memref_squeeze %dma_start3A_58 : memref<1x80x64xf32, #tpu.memory_space<vmem>> -> memref<80x64xf32, #tpu.memory_space<vmem>>
    %dma_start3A_60 = arith.constant 320 : i32
    %dma_start3A_61 = tpu.memref_slice %arg5[%dma_start3A_60] : memref<25600xi32, #tpu.memory_space<vmem>> -> memref<80xi32, #tpu.memory_space<vmem>>
    %dma_start3A_62 = arith.constant 0 : i32
    %dma_start3A_63 = arith.constant 0 : i32
    %dma_start3A_64 = tpu.memref_slice %arg3[%dma_start3A_62, %dma_start3A_63] : memref<1000000x64xf32, #tpu.memory_space<hbm>> -> memref<1000000x64xf32, #tpu.memory_space<hbm>>
    %dma_start3A_65 = tpu.memref_slice %arg7[%dma_start3A_55] : memref<2x!tpu.dma_semaphore, #tpu.memory_space<semaphore_mem>> -> memref<1x!tpu.dma_semaphore, #tpu.memory_space<semaphore_mem>>
    %dma_start3A_66 = tpu.memref_squeeze %dma_start3A_65 : memref<1x!tpu.dma_semaphore, #tpu.memory_space<semaphore_mem>> -> memref<!tpu.dma_semaphore, #tpu.memory_space<semaphore_mem>>
    tpu.enqueue_indirect_dma source(%dma_start3A_64 : memref<1000000x64xf32, #tpu.memory_space<hbm>>) target(%dma_start3A_59 : memref<80x64xf32, #tpu.memory_space<vmem>>) offsets(%dma_start3A_61 : memref<80xi32, #tpu.memory_space<vmem>>) semaphore(%dma_start3A_66 : memref<!tpu.dma_semaphore, #tpu.memory_space<semaphore_mem>>)
    %dma_start3A_67 = arith.constant 0 : i32
    %dma_start3A_68 = arith.constant 0 : i32
    %dma_start3A_69 = arith.constant 400 : i32
    %dma_start3A_70 = arith.constant 0 : i32
    %dma_start3A_71 = tpu.memref_slice %arg6[%dma_start3A_67, %dma_start3A_69, %dma_start3A_70] : memref<2x800x64xf32, #tpu.memory_space<vmem>> -> memref<1x80x64xf32, #tpu.memory_space<vmem>>
    %dma_start3A_72 = tpu.memref_squeeze %dma_start3A_71 : memref<1x80x64xf32, #tpu.memory_space<vmem>> -> memref<80x64xf32, #tpu.memory_space<vmem>>
    %dma_start3A_73 = arith.constant 400 : i32
    %dma_start3A_74 = tpu.memref_slice %arg5[%dma_start3A_73] : memref<25600xi32, #tpu.memory_space<vmem>> -> memref<80xi32, #tpu.memory_space<vmem>>
    %dma_start3A_75 = arith.constant 0 : i32
    %dma_start3A_76 = arith.constant 0 : i32
    %dma_start3A_77 = tpu.memref_slice %arg3[%dma_start3A_75, %dma_start3A_76] : memref<1000000x64xf32, #tpu.memory_space<hbm>> -> memref<1000000x64xf32, #tpu.memory_space<hbm>>
    %dma_start3A_78 = tpu.memref_slice %arg7[%dma_start3A_68] : memref<2x!tpu.dma_semaphore, #tpu.memory_space<semaphore_mem>> -> memref<1x!tpu.dma_semaphore, #tpu.memory_space<semaphore_mem>>
    %dma_start3A_79 = tpu.memref_squeeze %dma_start3A_78 : memref<1x!tpu.dma_semaphore, #tpu.memory_space<semaphore_mem>> -> memref<!tpu.dma_semaphore, #tpu.memory_space<semaphore_mem>>
    tpu.enqueue_indirect_dma source(%dma_start3A_77 : memref<1000000x64xf32, #tpu.memory_space<hbm>>) target(%dma_start3A_72 : memref<80x64xf32, #tpu.memory_space<vmem>>) offsets(%dma_start3A_74 : memref<80xi32, #tpu.memory_space<vmem>>) semaphore(%dma_start3A_79 : memref<!tpu.dma_semaphore, #tpu.memory_space<semaphore_mem>>)
    %dma_start3A_80 = arith.constant 0 : i32
    %dma_start3A_81 = arith.constant 0 : i32
    %dma_start3A_82 = arith.constant 480 : i32
    %dma_start3A_83 = arith.constant 0 : i32
    %dma_start3A_84 = tpu.memref_slice %arg6[%dma_start3A_80, %dma_start3A_82, %dma_start3A_83] : memref<2x800x64xf32, #tpu.memory_space<vmem>> -> memref<1x80x64xf32, #tpu.memory_space<vmem>>
    %dma_start3A_85 = tpu.memref_squeeze %dma_start3A_84 : memref<1x80x64xf32, #tpu.memory_space<vmem>> -> memref<80x64xf32, #tpu.memory_space<vmem>>
    %dma_start3A_86 = arith.constant 480 : i32
    %dma_start3A_87 = tpu.memref_slice %arg5[%dma_start3A_86] : memref<25600xi32, #tpu.memory_space<vmem>> -> memref<80xi32, #tpu.memory_space<vmem>>
    %dma_start3A_88 = arith.constant 0 : i32
    %dma_start3A_89 = arith.constant 0 : i32
    %dma_start3A_90 = tpu.memref_slice %arg3[%dma_start3A_88, %dma_start3A_89] : memref<1000000x64xf32, #tpu.memory_space<hbm>> -> memref<1000000x64xf32, #tpu.memory_space<hbm>>
    %dma_start3A_91 = tpu.memref_slice %arg7[%dma_start3A_81] : memref<2x!tpu.dma_semaphore, #tpu.memory_space<semaphore_mem>> -> memref<1x!tpu.dma_semaphore, #tpu.memory_space<semaphore_mem>>
    %dma_start3A_92 = tpu.memref_squeeze %dma_start3A_91 : memref<1x!tpu.dma_semaphore, #tpu.memory_space<semaphore_mem>> -> memref<!tpu.dma_semaphore, #tpu.memory_space<semaphore_mem>>
    tpu.enqueue_indirect_dma source(%dma_start3A_90 : memref<1000000x64xf32, #tpu.memory_space<hbm>>) target(%dma_start3A_85 : memref<80x64xf32, #tpu.memory_space<vmem>>) offsets(%dma_start3A_87 : memref<80xi32, #tpu.memory_space<vmem>>) semaphore(%dma_start3A_92 : memref<!tpu.dma_semaphore, #tpu.memory_space<semaphore_mem>>)
    %dma_start3A_93 = arith.constant 0 : i32
    %dma_start3A_94 = arith.constant 0 : i32
    %dma_start3A_95 = arith.constant 560 : i32
    %dma_start3A_96 = arith.constant 0 : i32
    %dma_start3A_97 = tpu.memref_slice %arg6[%dma_start3A_93, %dma_start3A_95, %dma_start3A_96] : memref<2x800x64xf32, #tpu.memory_space<vmem>> -> memref<1x80x64xf32, #tpu.memory_space<vmem>>
    %dma_start3A_98 = tpu.memref_squeeze %dma_start3A_97 : memref<1x80x64xf32, #tpu.memory_space<vmem>> -> memref<80x64xf32, #tpu.memory_space<vmem>>
    %dma_start3A_99 = arith.constant 560 : i32
    %dma_start3A_100 = tpu.memref_slice %arg5[%dma_start3A_99] : memref<25600xi32, #tpu.memory_space<vmem>> -> memref<80xi32, #tpu.memory_space<vmem>>
    %dma_start3A_101 = arith.constant 0 : i32
    %dma_start3A_102 = arith.constant 0 : i32
    %dma_start3A_103 = tpu.memref_slice %arg3[%dma_start3A_101, %dma_start3A_102] : memref<1000000x64xf32, #tpu.memory_space<hbm>> -> memref<1000000x64xf32, #tpu.memory_space<hbm>>
    %dma_start3A_104 = tpu.memref_slice %arg7[%dma_start3A_94] : memref<2x!tpu.dma_semaphore, #tpu.memory_space<semaphore_mem>> -> memref<1x!tpu.dma_semaphore, #tpu.memory_space<semaphore_mem>>
    %dma_start3A_105 = tpu.memref_squeeze %dma_start3A_104 : memref<1x!tpu.dma_semaphore, #tpu.memory_space<semaphore_mem>> -> memref<!tpu.dma_semaphore, #tpu.memory_space<semaphore_mem>>
    tpu.enqueue_indirect_dma source(%dma_start3A_103 : memref<1000000x64xf32, #tpu.memory_space<hbm>>) target(%dma_start3A_98 : memref<80x64xf32, #tpu.memory_space<vmem>>) offsets(%dma_start3A_100 : memref<80xi32, #tpu.memory_space<vmem>>) semaphore(%dma_start3A_105 : memref<!tpu.dma_semaphore, #tpu.memory_space<semaphore_mem>>)
    %dma_start3A_106 = arith.constant 0 : i32
    %dma_start3A_107 = arith.constant 0 : i32
    %dma_start3A_108 = arith.constant 640 : i32
    %dma_start3A_109 = arith.constant 0 : i32
    %dma_start3A_110 = tpu.memref_slice %arg6[%dma_start3A_106, %dma_start3A_108, %dma_start3A_109] : memref<2x800x64xf32, #tpu.memory_space<vmem>> -> memref<1x80x64xf32, #tpu.memory_space<vmem>>
    %dma_start3A_111 = tpu.memref_squeeze %dma_start3A_110 : memref<1x80x64xf32, #tpu.memory_space<vmem>> -> memref<80x64xf32, #tpu.memory_space<vmem>>
    %dma_start3A_112 = arith.constant 640 : i32
    %dma_start3A_113 = tpu.memref_slice %arg5[%dma_start3A_112] : memref<25600xi32, #tpu.memory_space<vmem>> -> memref<80xi32, #tpu.memory_space<vmem>>
    %dma_start3A_114 = arith.constant 0 : i32
    %dma_start3A_115 = arith.constant 0 : i32
    %dma_start3A_116 = tpu.memref_slice %arg3[%dma_start3A_114, %dma_start3A_115] : memref<1000000x64xf32, #tpu.memory_space<hbm>> -> memref<1000000x64xf32, #tpu.memory_space<hbm>>
    %dma_start3A_117 = tpu.memref_slice %arg7[%dma_start3A_107] : memref<2x!tpu.dma_semaphore, #tpu.memory_space<semaphore_mem>> -> memref<1x!tpu.dma_semaphore, #tpu.memory_space<semaphore_mem>>
    %dma_start3A_118 = tpu.memref_squeeze %dma_start3A_117 : memref<1x!tpu.dma_semaphore, #tpu.memory_space<semaphore_mem>> -> memref<!tpu.dma_semaphore, #tpu.memory_space<semaphore_mem>>
    tpu.enqueue_indirect_dma source(%dma_start3A_116 : memref<1000000x64xf32, #tpu.memory_space<hbm>>) target(%dma_start3A_111 : memref<80x64xf32, #tpu.memory_space<vmem>>) offsets(%dma_start3A_113 : memref<80xi32, #tpu.memory_space<vmem>>) semaphore(%dma_start3A_118 : memref<!tpu.dma_semaphore, #tpu.memory_space<semaphore_mem>>)
    %dma_start3A_119 = arith.constant 0 : i32
    %dma_start3A_120 = arith.constant 0 : i32
    %dma_start3A_121 = arith.constant 720 : i32
    %dma_start3A_122 = arith.constant 0 : i32
    %dma_start3A_123 = tpu.memref_slice %arg6[%dma_start3A_119, %dma_start3A_121, %dma_start3A_122] : memref<2x800x64xf32, #tpu.memory_space<vmem>> -> memref<1x80x64xf32, #tpu.memory_space<vmem>>
    %dma_start3A_124 = tpu.memref_squeeze %dma_start3A_123 : memref<1x80x64xf32, #tpu.memory_space<vmem>> -> memref<80x64xf32, #tpu.memory_space<vmem>>
    %dma_start3A_125 = arith.constant 720 : i32
    %dma_start3A_126 = tpu.memref_slice %arg5[%dma_start3A_125] : memref<25600xi32, #tpu.memory_space<vmem>> -> memref<80xi32, #tpu.memory_space<vmem>>
    %dma_start3A_127 = arith.constant 0 : i32
    %dma_start3A_128 = arith.constant 0 : i32
    %dma_start3A_129 = tpu.memref_slice %arg3[%dma_start3A_127, %dma_start3A_128] : memref<1000000x64xf32, #tpu.memory_space<hbm>> -> memref<1000000x64xf32, #tpu.memory_space<hbm>>
    %dma_start3A_130 = tpu.memref_slice %arg7[%dma_start3A_120] : memref<2x!tpu.dma_semaphore, #tpu.memory_space<semaphore_mem>> -> memref<1x!tpu.dma_semaphore, #tpu.memory_space<semaphore_mem>>
    %dma_start3A_131 = tpu.memref_squeeze %dma_start3A_130 : memref<1x!tpu.dma_semaphore, #tpu.memory_space<semaphore_mem>> -> memref<!tpu.dma_semaphore, #tpu.memory_space<semaphore_mem>>
    tpu.enqueue_indirect_dma source(%dma_start3A_129 : memref<1000000x64xf32, #tpu.memory_space<hbm>>) target(%dma_start3A_124 : memref<80x64xf32, #tpu.memory_space<vmem>>) offsets(%dma_start3A_126 : memref<80xi32, #tpu.memory_space<vmem>>) semaphore(%dma_start3A_131 : memref<!tpu.dma_semaphore, #tpu.memory_space<semaphore_mem>>)
    %dma_wait3A = arith.constant 0 : i32
    %dma_wait3A_132 = arith.constant 0 : i32
    %dma_wait3A_133 = arith.constant 0 : i32
    %dma_wait3A_134 = arith.constant 0 : i32
    %dma_wait3A_135 = tpu.memref_slice %arg6[%dma_wait3A, %dma_wait3A_133, %dma_wait3A_134] : memref<2x800x64xf32, #tpu.memory_space<vmem>> -> memref<1x80x64xf32, #tpu.memory_space<vmem>>
    %dma_wait3A_136 = tpu.memref_squeeze %dma_wait3A_135 : memref<1x80x64xf32, #tpu.memory_space<vmem>> -> memref<80x64xf32, #tpu.memory_space<vmem>>
    %dma_wait3A_137 = arith.constant 0 : i32
    %dma_wait3A_138 = tpu.memref_slice %arg5[%dma_wait3A_137] : memref<25600xi32, #tpu.memory_space<vmem>> -> memref<80xi32, #tpu.memory_space<vmem>>
    %dma_wait3A_139 = arith.constant 0 : i32
    %dma_wait3A_140 = arith.constant 0 : i32
    %dma_wait3A_141 = tpu.memref_slice %arg3[%dma_wait3A_139, %dma_wait3A_140] : memref<1000000x64xf32, #tpu.memory_space<hbm>> -> memref<1000000x64xf32, #tpu.memory_space<hbm>>
    %dma_wait3A_142 = tpu.memref_slice %arg7[%dma_wait3A_132] : memref<2x!tpu.dma_semaphore, #tpu.memory_space<semaphore_mem>> -> memref<1x!tpu.dma_semaphore, #tpu.memory_space<semaphore_mem>>
    %dma_wait3A_143 = tpu.memref_squeeze %dma_wait3A_142 : memref<1x!tpu.dma_semaphore, #tpu.memory_space<semaphore_mem>> -> memref<!tpu.dma_semaphore, #tpu.memory_space<semaphore_mem>>
    tpu.wait_indirect_dma semaphore(%dma_wait3A_143 : memref<!tpu.dma_semaphore, #tpu.memory_space<semaphore_mem>>) src(%dma_wait3A_141 : memref<1000000x64xf32, #tpu.memory_space<hbm>>) dst(%dma_wait3A_136 : memref<80x64xf32, #tpu.memory_space<vmem>>)
    %dma_wait3A_144 = arith.constant 0 : i32
    %dma_wait3A_145 = arith.constant 0 : i32
    %dma_wait3A_146 = arith.constant 80 : i32
    %dma_wait3A_147 = arith.constant 0 : i32
    %dma_wait3A_148 = tpu.memref_slice %arg6[%dma_wait3A_144, %dma_wait3A_146, %dma_wait3A_147] : memref<2x800x64xf32, #tpu.memory_space<vmem>> -> memref<1x80x64xf32, #tpu.memory_space<vmem>>
    %dma_wait3A_149 = tpu.memref_squeeze %dma_wait3A_148 : memref<1x80x64xf32, #tpu.memory_space<vmem>> -> memref<80x64xf32, #tpu.memory_space<vmem>>
    %dma_wait3A_150 = arith.constant 80 : i32
    %dma_wait3A_151 = tpu.memref_slice %arg5[%dma_wait3A_150] : memref<25600xi32, #tpu.memory_space<vmem>> -> memref<80xi32, #tpu.memory_space<vmem>>
    %dma_wait3A_152 = arith.constant 0 : i32
    %dma_wait3A_153 = arith.constant 0 : i32
    %dma_wait3A_154 = tpu.memref_slice %arg3[%dma_wait3A_152, %dma_wait3A_153] : memref<1000000x64xf32, #tpu.memory_space<hbm>> -> memref<1000000x64xf32, #tpu.memory_space<hbm>>
    %dma_wait3A_155 = tpu.memref_slice %arg7[%dma_wait3A_145] : memref<2x!tpu.dma_semaphore, #tpu.memory_space<semaphore_mem>> -> memref<1x!tpu.dma_semaphore, #tpu.memory_space<semaphore_mem>>
    %dma_wait3A_156 = tpu.memref_squeeze %dma_wait3A_155 : memref<1x!tpu.dma_semaphore, #tpu.memory_space<semaphore_mem>> -> memref<!tpu.dma_semaphore, #tpu.memory_space<semaphore_mem>>
    tpu.wait_indirect_dma semaphore(%dma_wait3A_156 : memref<!tpu.dma_semaphore, #tpu.memory_space<semaphore_mem>>) src(%dma_wait3A_154 : memref<1000000x64xf32, #tpu.memory_space<hbm>>) dst(%dma_wait3A_149 : memref<80x64xf32, #tpu.memory_space<vmem>>)
    %dma_wait3A_157 = arith.constant 0 : i32
    %dma_wait3A_158 = arith.constant 0 : i32
    %dma_wait3A_159 = arith.constant 160 : i32
    %dma_wait3A_160 = arith.constant 0 : i32
    %dma_wait3A_161 = tpu.memref_slice %arg6[%dma_wait3A_157, %dma_wait3A_159, %dma_wait3A_160] : memref<2x800x64xf32, #tpu.memory_space<vmem>> -> memref<1x80x64xf32, #tpu.memory_space<vmem>>
    %dma_wait3A_162 = tpu.memref_squeeze %dma_wait3A_161 : memref<1x80x64xf32, #tpu.memory_space<vmem>> -> memref<80x64xf32, #tpu.memory_space<vmem>>
    %dma_wait3A_163 = arith.constant 160 : i32
    %dma_wait3A_164 = tpu.memref_slice %arg5[%dma_wait3A_163] : memref<25600xi32, #tpu.memory_space<vmem>> -> memref<80xi32, #tpu.memory_space<vmem>>
    %dma_wait3A_165 = arith.constant 0 : i32
    %dma_wait3A_166 = arith.constant 0 : i32
    %dma_wait3A_167 = tpu.memref_slice %arg3[%dma_wait3A_165, %dma_wait3A_166] : memref<1000000x64xf32, #tpu.memory_space<hbm>> -> memref<1000000x64xf32, #tpu.memory_space<hbm>>
    %dma_wait3A_168 = tpu.memref_slice %arg7[%dma_wait3A_158] : memref<2x!tpu.dma_semaphore, #tpu.memory_space<semaphore_mem>> -> memref<1x!tpu.dma_semaphore, #tpu.memory_space<semaphore_mem>>
    %dma_wait3A_169 = tpu.memref_squeeze %dma_wait3A_168 : memref<1x!tpu.dma_semaphore, #tpu.memory_space<semaphore_mem>> -> memref<!tpu.dma_semaphore, #tpu.memory_space<semaphore_mem>>
    tpu.wait_indirect_dma semaphore(%dma_wait3A_169 : memref<!tpu.dma_semaphore, #tpu.memory_space<semaphore_mem>>) src(%dma_wait3A_167 : memref<1000000x64xf32, #tpu.memory_space<hbm>>) dst(%dma_wait3A_162 : memref<80x64xf32, #tpu.memory_space<vmem>>)
    %dma_wait3A_170 = arith.constant 0 : i32
    %dma_wait3A_171 = arith.constant 0 : i32
    %dma_wait3A_172 = arith.constant 240 : i32
    %dma_wait3A_173 = arith.constant 0 : i32
    %dma_wait3A_174 = tpu.memref_slice %arg6[%dma_wait3A_170, %dma_wait3A_172, %dma_wait3A_173] : memref<2x800x64xf32, #tpu.memory_space<vmem>> -> memref<1x80x64xf32, #tpu.memory_space<vmem>>
    %dma_wait3A_175 = tpu.memref_squeeze %dma_wait3A_174 : memref<1x80x64xf32, #tpu.memory_space<vmem>> -> memref<80x64xf32, #tpu.memory_space<vmem>>
    %dma_wait3A_176 = arith.constant 240 : i32
    %dma_wait3A_177 = tpu.memref_slice %arg5[%dma_wait3A_176] : memref<25600xi32, #tpu.memory_space<vmem>> -> memref<80xi32, #tpu.memory_space<vmem>>
    %dma_wait3A_178 = arith.constant 0 : i32
    %dma_wait3A_179 = arith.constant 0 : i32
    %dma_wait3A_180 = tpu.memref_slice %arg3[%dma_wait3A_178, %dma_wait3A_179] : memref<1000000x64xf32, #tpu.memory_space<hbm>> -> memref<1000000x64xf32, #tpu.memory_space<hbm>>
    %dma_wait3A_181 = tpu.memref_slice %arg7[%dma_wait3A_171] : memref<2x!tpu.dma_semaphore, #tpu.memory_space<semaphore_mem>> -> memref<1x!tpu.dma_semaphore, #tpu.memory_space<semaphore_mem>>
    %dma_wait3A_182 = tpu.memref_squeeze %dma_wait3A_181 : memref<1x!tpu.dma_semaphore, #tpu.memory_space<semaphore_mem>> -> memref<!tpu.dma_semaphore, #tpu.memory_space<semaphore_mem>>
    tpu.wait_indirect_dma semaphore(%dma_wait3A_182 : memref<!tpu.dma_semaphore, #tpu.memory_space<semaphore_mem>>) src(%dma_wait3A_180 : memref<1000000x64xf32, #tpu.memory_space<hbm>>) dst(%dma_wait3A_175 : memref<80x64xf32, #tpu.memory_space<vmem>>)
    %dma_wait3A_183 = arith.constant 0 : i32
    %dma_wait3A_184 = arith.constant 0 : i32
    %dma_wait3A_185 = arith.constant 320 : i32
    %dma_wait3A_186 = arith.constant 0 : i32
    %dma_wait3A_187 = tpu.memref_slice %arg6[%dma_wait3A_183, %dma_wait3A_185, %dma_wait3A_186] : memref<2x800x64xf32, #tpu.memory_space<vmem>> -> memref<1x80x64xf32, #tpu.memory_space<vmem>>
    %dma_wait3A_188 = tpu.memref_squeeze %dma_wait3A_187 : memref<1x80x64xf32, #tpu.memory_space<vmem>> -> memref<80x64xf32, #tpu.memory_space<vmem>>
    %dma_wait3A_189 = arith.constant 320 : i32
    %dma_wait3A_190 = tpu.memref_slice %arg5[%dma_wait3A_189] : memref<25600xi32, #tpu.memory_space<vmem>> -> memref<80xi32, #tpu.memory_space<vmem>>
    %dma_wait3A_191 = arith.constant 0 : i32
    %dma_wait3A_192 = arith.constant 0 : i32
    %dma_wait3A_193 = tpu.memref_slice %arg3[%dma_wait3A_191, %dma_wait3A_192] : memref<1000000x64xf32, #tpu.memory_space<hbm>> -> memref<1000000x64xf32, #tpu.memory_space<hbm>>
    %dma_wait3A_194 = tpu.memref_slice %arg7[%dma_wait3A_184] : memref<2x!tpu.dma_semaphore, #tpu.memory_space<semaphore_mem>> -> memref<1x!tpu.dma_semaphore, #tpu.memory_space<semaphore_mem>>
    %dma_wait3A_195 = tpu.memref_squeeze %dma_wait3A_194 : memref<1x!tpu.dma_semaphore, #tpu.memory_space<semaphore_mem>> -> memref<!tpu.dma_semaphore, #tpu.memory_space<semaphore_mem>>
    tpu.wait_indirect_dma semaphore(%dma_wait3A_195 : memref<!tpu.dma_semaphore, #tpu.memory_space<semaphore_mem>>) src(%dma_wait3A_193 : memref<1000000x64xf32, #tpu.memory_space<hbm>>) dst(%dma_wait3A_188 : memref<80x64xf32, #tpu.memory_space<vmem>>)
    %dma_wait3A_196 = arith.constant 0 : i32
    %dma_wait3A_197 = arith.constant 0 : i32
    %dma_wait3A_198 = arith.constant 400 : i32
    %dma_wait3A_199 = arith.constant 0 : i32
    %dma_wait3A_200 = tpu.memref_slice %arg6[%dma_wait3A_196, %dma_wait3A_198, %dma_wait3A_199] : memref<2x800x64xf32, #tpu.memory_space<vmem>> -> memref<1x80x64xf32, #tpu.memory_space<vmem>>
    %dma_wait3A_201 = tpu.memref_squeeze %dma_wait3A_200 : memref<1x80x64xf32, #tpu.memory_space<vmem>> -> memref<80x64xf32, #tpu.memory_space<vmem>>
    %dma_wait3A_202 = arith.constant 400 : i32
    %dma_wait3A_203 = tpu.memref_slice %arg5[%dma_wait3A_202] : memref<25600xi32, #tpu.memory_space<vmem>> -> memref<80xi32, #tpu.memory_space<vmem>>
    %dma_wait3A_204 = arith.constant 0 : i32
    %dma_wait3A_205 = arith.constant 0 : i32
    %dma_wait3A_206 = tpu.memref_slice %arg3[%dma_wait3A_204, %dma_wait3A_205] : memref<1000000x64xf32, #tpu.memory_space<hbm>> -> memref<1000000x64xf32, #tpu.memory_space<hbm>>
    %dma_wait3A_207 = tpu.memref_slice %arg7[%dma_wait3A_197] : memref<2x!tpu.dma_semaphore, #tpu.memory_space<semaphore_mem>> -> memref<1x!tpu.dma_semaphore, #tpu.memory_space<semaphore_mem>>
    %dma_wait3A_208 = tpu.memref_squeeze %dma_wait3A_207 : memref<1x!tpu.dma_semaphore, #tpu.memory_space<semaphore_mem>> -> memref<!tpu.dma_semaphore, #tpu.memory_space<semaphore_mem>>
    tpu.wait_indirect_dma semaphore(%dma_wait3A_208 : memref<!tpu.dma_semaphore, #tpu.memory_space<semaphore_mem>>) src(%dma_wait3A_206 : memref<1000000x64xf32, #tpu.memory_space<hbm>>) dst(%dma_wait3A_201 : memref<80x64xf32, #tpu.memory_space<vmem>>)
    %dma_wait3A_209 = arith.constant 0 : i32
    %dma_wait3A_210 = arith.constant 0 : i32
    %dma_wait3A_211 = arith.constant 480 : i32
    %dma_wait3A_212 = arith.constant 0 : i32
    %dma_wait3A_213 = tpu.memref_slice %arg6[%dma_wait3A_209, %dma_wait3A_211, %dma_wait3A_212] : memref<2x800x64xf32, #tpu.memory_space<vmem>> -> memref<1x80x64xf32, #tpu.memory_space<vmem>>
    %dma_wait3A_214 = tpu.memref_squeeze %dma_wait3A_213 : memref<1x80x64xf32, #tpu.memory_space<vmem>> -> memref<80x64xf32, #tpu.memory_space<vmem>>
    %dma_wait3A_215 = arith.constant 480 : i32
    %dma_wait3A_216 = tpu.memref_slice %arg5[%dma_wait3A_215] : memref<25600xi32, #tpu.memory_space<vmem>> -> memref<80xi32, #tpu.memory_space<vmem>>
    %dma_wait3A_217 = arith.constant 0 : i32
    %dma_wait3A_218 = arith.constant 0 : i32
    %dma_wait3A_219 = tpu.memref_slice %arg3[%dma_wait3A_217, %dma_wait3A_218] : memref<1000000x64xf32, #tpu.memory_space<hbm>> -> memref<1000000x64xf32, #tpu.memory_space<hbm>>
    %dma_wait3A_220 = tpu.memref_slice %arg7[%dma_wait3A_210] : memref<2x!tpu.dma_semaphore, #tpu.memory_space<semaphore_mem>> -> memref<1x!tpu.dma_semaphore, #tpu.memory_space<semaphore_mem>>
    %dma_wait3A_221 = tpu.memref_squeeze %dma_wait3A_220 : memref<1x!tpu.dma_semaphore, #tpu.memory_space<semaphore_mem>> -> memref<!tpu.dma_semaphore, #tpu.memory_space<semaphore_mem>>
    tpu.wait_indirect_dma semaphore(%dma_wait3A_221 : memref<!tpu.dma_semaphore, #tpu.memory_space<semaphore_mem>>) src(%dma_wait3A_219 : memref<1000000x64xf32, #tpu.memory_space<hbm>>) dst(%dma_wait3A_214 : memref<80x64xf32, #tpu.memory_space<vmem>>)
    %dma_wait3A_222 = arith.constant 0 : i32
    %dma_wait3A_223 = arith.constant 0 : i32
    %dma_wait3A_224 = arith.constant 560 : i32
    %dma_wait3A_225 = arith.constant 0 : i32
    %dma_wait3A_226 = tpu.memref_slice %arg6[%dma_wait3A_222, %dma_wait3A_224, %dma_wait3A_225] : memref<2x800x64xf32, #tpu.memory_space<vmem>> -> memref<1x80x64xf32, #tpu.memory_space<vmem>>
    %dma_wait3A_227 = tpu.memref_squeeze %dma_wait3A_226 : memref<1x80x64xf32, #tpu.memory_space<vmem>> -> memref<80x64xf32, #tpu.memory_space<vmem>>
    %dma_wait3A_228 = arith.constant 560 : i32
    %dma_wait3A_229 = tpu.memref_slice %arg5[%dma_wait3A_228] : memref<25600xi32, #tpu.memory_space<vmem>> -> memref<80xi32, #tpu.memory_space<vmem>>
    %dma_wait3A_230 = arith.constant 0 : i32
    %dma_wait3A_231 = arith.constant 0 : i32
    %dma_wait3A_232 = tpu.memref_slice %arg3[%dma_wait3A_230, %dma_wait3A_231] : memref<1000000x64xf32, #tpu.memory_space<hbm>> -> memref<1000000x64xf32, #tpu.memory_space<hbm>>
    %dma_wait3A_233 = tpu.memref_slice %arg7[%dma_wait3A_223] : memref<2x!tpu.dma_semaphore, #tpu.memory_space<semaphore_mem>> -> memref<1x!tpu.dma_semaphore, #tpu.memory_space<semaphore_mem>>
    %dma_wait3A_234 = tpu.memref_squeeze %dma_wait3A_233 : memref<1x!tpu.dma_semaphore, #tpu.memory_space<semaphore_mem>> -> memref<!tpu.dma_semaphore, #tpu.memory_space<semaphore_mem>>
    tpu.wait_indirect_dma semaphore(%dma_wait3A_234 : memref<!tpu.dma_semaphore, #tpu.memory_space<semaphore_mem>>) src(%dma_wait3A_232 : memref<1000000x64xf32, #tpu.memory_space<hbm>>) dst(%dma_wait3A_227 : memref<80x64xf32, #tpu.memory_space<vmem>>)
    %dma_wait3A_235 = arith.constant 0 : i32
    %dma_wait3A_236 = arith.constant 0 : i32
    %dma_wait3A_237 = arith.constant 640 : i32
    %dma_wait3A_238 = arith.constant 0 : i32
    %dma_wait3A_239 = tpu.memref_slice %arg6[%dma_wait3A_235, %dma_wait3A_237, %dma_wait3A_238] : memref<2x800x64xf32, #tpu.memory_space<vmem>> -> memref<1x80x64xf32, #tpu.memory_space<vmem>>
    %dma_wait3A_240 = tpu.memref_squeeze %dma_wait3A_239 : memref<1x80x64xf32, #tpu.memory_space<vmem>> -> memref<80x64xf32, #tpu.memory_space<vmem>>
    %dma_wait3A_241 = arith.constant 640 : i32
    %dma_wait3A_242 = tpu.memref_slice %arg5[%dma_wait3A_241] : memref<25600xi32, #tpu.memory_space<vmem>> -> memref<80xi32, #tpu.memory_space<vmem>>
    %dma_wait3A_243 = arith.constant 0 : i32
    %dma_wait3A_244 = arith.constant 0 : i32
    %dma_wait3A_245 = tpu.memref_slice %arg3[%dma_wait3A_243, %dma_wait3A_244] : memref<1000000x64xf32, #tpu.memory_space<hbm>> -> memref<1000000x64xf32, #tpu.memory_space<hbm>>
    %dma_wait3A_246 = tpu.memref_slice %arg7[%dma_wait3A_236] : memref<2x!tpu.dma_semaphore, #tpu.memory_space<semaphore_mem>> -> memref<1x!tpu.dma_semaphore, #tpu.memory_space<semaphore_mem>>
    %dma_wait3A_247 = tpu.memref_squeeze %dma_wait3A_246 : memref<1x!tpu.dma_semaphore, #tpu.memory_space<semaphore_mem>> -> memref<!tpu.dma_semaphore, #tpu.memory_space<semaphore_mem>>
    tpu.wait_indirect_dma semaphore(%dma_wait3A_247 : memref<!tpu.dma_semaphore, #tpu.memory_space<semaphore_mem>>) src(%dma_wait3A_245 : memref<1000000x64xf32, #tpu.memory_space<hbm>>) dst(%dma_wait3A_240 : memref<80x64xf32, #tpu.memory_space<vmem>>)
    %dma_wait3A_248 = arith.constant 0 : i32
    %dma_wait3A_249 = arith.constant 0 : i32
    %dma_wait3A_250 = arith.constant 720 : i32
    %dma_wait3A_251 = arith.constant 0 : i32
    %dma_wait3A_252 = tpu.memref_slice %arg6[%dma_wait3A_248, %dma_wait3A_250, %dma_wait3A_251] : memref<2x800x64xf32, #tpu.memory_space<vmem>> -> memref<1x80x64xf32, #tpu.memory_space<vmem>>
    %dma_wait3A_253 = tpu.memref_squeeze %dma_wait3A_252 : memref<1x80x64xf32, #tpu.memory_space<vmem>> -> memref<80x64xf32, #tpu.memory_space<vmem>>
    %dma_wait3A_254 = arith.constant 720 : i32
    %dma_wait3A_255 = tpu.memref_slice %arg5[%dma_wait3A_254] : memref<25600xi32, #tpu.memory_space<vmem>> -> memref<80xi32, #tpu.memory_space<vmem>>
    %dma_wait3A_256 = arith.constant 0 : i32
    %dma_wait3A_257 = arith.constant 0 : i32
    %dma_wait3A_258 = tpu.memref_slice %arg3[%dma_wait3A_256, %dma_wait3A_257] : memref<1000000x64xf32, #tpu.memory_space<hbm>> -> memref<1000000x64xf32, #tpu.memory_space<hbm>>
    %dma_wait3A_259 = tpu.memref_slice %arg7[%dma_wait3A_249] : memref<2x!tpu.dma_semaphore, #tpu.memory_space<semaphore_mem>> -> memref<1x!tpu.dma_semaphore, #tpu.memory_space<semaphore_mem>>
    %dma_wait3A_260 = tpu.memref_squeeze %dma_wait3A_259 : memref<1x!tpu.dma_semaphore, #tpu.memory_space<semaphore_mem>> -> memref<!tpu.dma_semaphore, #tpu.memory_space<semaphore_mem>>
    tpu.wait_indirect_dma semaphore(%dma_wait3A_260 : memref<!tpu.dma_semaphore, #tpu.memory_space<semaphore_mem>>) src(%dma_wait3A_258 : memref<1000000x64xf32, #tpu.memory_space<hbm>>) dst(%dma_wait3A_253 : memref<80x64xf32, #tpu.memory_space<vmem>>)
    %add3A_261 = arith.constant 0 : i32
    %add3A_262 = arith.addi %mul3A_2, %add3A_261 : i32
    %dma_start3A_263 = arith.constant 0 : i32
    %dma_start3A_264 = arith.constant 0 : i32
    %dma_start3A_265 = arith.constant 0 : i32
    %dma_start3A_266 = arith.constant 0 : i32
    %dma_start3A_267 = tpu.memref_slice %arg6[%dma_start3A_263, %dma_start3A_265, %dma_start3A_266] : memref<2x800x64xf32, #tpu.memory_space<vmem>> -> memref<1x800x64xf32, #tpu.memory_space<vmem>>
    %dma_start3A_268 = tpu.memref_squeeze %dma_start3A_267 : memref<1x800x64xf32, #tpu.memory_space<vmem>> -> memref<800x64xf32, #tpu.memory_space<vmem>>
    %dma_start3A_269 = arith.constant 0 : i32
    %dma_start3A_270 = tpu.memref_slice %arg4[%add3A_262, %dma_start3A_269] : memref<819200x64xf32, #tpu.memory_space<hbm>> -> memref<800x64xf32, #tpu.memory_space<hbm>>
    %dma_start3A_271 = tpu.memref_slice %arg8[%dma_start3A_264] : memref<2x!tpu.dma_semaphore, #tpu.memory_space<semaphore_mem>> -> memref<1x!tpu.dma_semaphore, #tpu.memory_space<semaphore_mem>>
    %dma_start3A_272 = tpu.memref_squeeze %dma_start3A_271 : memref<1x!tpu.dma_semaphore, #tpu.memory_space<semaphore_mem>> -> memref<!tpu.dma_semaphore, #tpu.memory_space<semaphore_mem>>
    %dma_start3A_273 = arith.constant 0 : i32
    %dma_start3A_274 = tpu.memref_slice %arg4[%add3A_262, %dma_start3A_273] : memref<819200x64xf32, #tpu.memory_space<hbm>> -> memref<800x64xf32, #tpu.memory_space<hbm>>
    %dma_start3A_275 = arith.constant 0 : i32
    %dma_start3A_276 = arith.constant 0 : i32
    %dma_start3A_277 = tpu.memref_slice %arg6[%dma_start3A_263, %dma_start3A_275, %dma_start3A_276] : memref<2x800x64xf32, #tpu.memory_space<vmem>> -> memref<1x800x64xf32, #tpu.memory_space<vmem>>
    %dma_start3A_278 = tpu.memref_squeeze %dma_start3A_277 : memref<1x800x64xf32, #tpu.memory_space<vmem>> -> memref<800x64xf32, #tpu.memory_space<vmem>>
    tpu.enqueue_dma source(%dma_start3A_278 : memref<800x64xf32, #tpu.memory_space<vmem>>) target(%dma_start3A_274 : memref<800x64xf32, #tpu.memory_space<hbm>>) target_semaphore(%dma_start3A_272 : memref<!tpu.dma_semaphore, #tpu.memory_space<semaphore_mem>>)
    %dma_start3A_279 = arith.constant 1 : i32
    %dma_start3A_280 = arith.constant 1 : i32
    %dma_start3A_281 = arith.constant 0 : i32
    %dma_start3A_282 = arith.constant 0 : i32
    %dma_start3A_283 = tpu.memref_slice %arg6[%dma_start3A_279, %dma_start3A_281, %dma_start3A_282] : memref<2x800x64xf32, #tpu.memory_space<vmem>> -> memref<1x80x64xf32, #tpu.memory_space<vmem>>
    %dma_start3A_284 = tpu.memref_squeeze %dma_start3A_283 : memref<1x80x64xf32, #tpu.memory_space<vmem>> -> memref<80x64xf32, #tpu.memory_space<vmem>>
    %dma_start3A_285 = arith.constant 800 : i32
    %dma_start3A_286 = tpu.memref_slice %arg5[%dma_start3A_285] : memref<25600xi32, #tpu.memory_space<vmem>> -> memref<80xi32, #tpu.memory_space<vmem>>
    %dma_start3A_287 = arith.constant 0 : i32
    %dma_start3A_288 = arith.constant 0 : i32
    %dma_start3A_289 = tpu.memref_slice %arg3[%dma_start3A_287, %dma_start3A_288] : memref<1000000x64xf32, #tpu.memory_space<hbm>> -> memref<1000000x64xf32, #tpu.memory_space<hbm>>
    %dma_start3A_290 = tpu.memref_slice %arg7[%dma_start3A_280] : memref<2x!tpu.dma_semaphore, #tpu.memory_space<semaphore_mem>> -> memref<1x!tpu.dma_semaphore, #tpu.memory_space<semaphore_mem>>
    %dma_start3A_291 = tpu.memref_squeeze %dma_start3A_290 : memref<1x!tpu.dma_semaphore, #tpu.memory_space<semaphore_mem>> -> memref<!tpu.dma_semaphore, #tpu.memory_space<semaphore_mem>>
    tpu.enqueue_indirect_dma source(%dma_start3A_289 : memref<1000000x64xf32, #tpu.memory_space<hbm>>) target(%dma_start3A_284 : memref<80x64xf32, #tpu.memory_space<vmem>>) offsets(%dma_start3A_286 : memref<80xi32, #tpu.memory_space<vmem>>) semaphore(%dma_start3A_291 : memref<!tpu.dma_semaphore, #tpu.memory_space<semaphore_mem>>)
    %dma_start3A_292 = arith.constant 1 : i32
    %dma_start3A_293 = arith.constant 1 : i32
    %dma_start3A_294 = arith.constant 80 : i32
    %dma_start3A_295 = arith.constant 0 : i32
    %dma_start3A_296 = tpu.memref_slice %arg6[%dma_start3A_292, %dma_start3A_294, %dma_start3A_295] : memref<2x800x64xf32, #tpu.memory_space<vmem>> -> memref<1x80x64xf32, #tpu.memory_space<vmem>>
    %dma_start3A_297 = tpu.memref_squeeze %dma_start3A_296 : memref<1x80x64xf32, #tpu.memory_space<vmem>> -> memref<80x64xf32, #tpu.memory_space<vmem>>
    %dma_start3A_298 = arith.constant 880 : i32
    %dma_start3A_299 = tpu.memref_slice %arg5[%dma_start3A_298] : memref<25600xi32, #tpu.memory_space<vmem>> -> memref<80xi32, #tpu.memory_space<vmem>>
    %dma_start3A_300 = arith.constant 0 : i32
    %dma_start3A_301 = arith.constant 0 : i32
    %dma_start3A_302 = tpu.memref_slice %arg3[%dma_start3A_300, %dma_start3A_301] : memref<1000000x64xf32, #tpu.memory_space<hbm>> -> memref<1000000x64xf32, #tpu.memory_space<hbm>>
    %dma_start3A_303 = tpu.memref_slice %arg7[%dma_start3A_293] : memref<2x!tpu.dma_semaphore, #tpu.memory_space<semaphore_mem>> -> memref<1x!tpu.dma_semaphore, #tpu.memory_space<semaphore_mem>>
    %dma_start3A_304 = tpu.memref_squeeze %dma_start3A_303 : memref<1x!tpu.dma_semaphore, #tpu.memory_space<semaphore_mem>> -> memref<!tpu.dma_semaphore, #tpu.memory_space<semaphore_mem>>
    tpu.enqueue_indirect_dma source(%dma_start3A_302 : memref<1000000x64xf32, #tpu.memory_space<hbm>>) target(%dma_start3A_297 : memref<80x64xf32, #tpu.memory_space<vmem>>) offsets(%dma_start3A_299 : memref<80xi32, #tpu.memory_space<vmem>>) semaphore(%dma_start3A_304 : memref<!tpu.dma_semaphore, #tpu.memory_space<semaphore_mem>>)
    %dma_start3A_305 = arith.constant 1 : i32
    %dma_start3A_306 = arith.constant 1 : i32
    %dma_start3A_307 = arith.constant 160 : i32
    %dma_start3A_308 = arith.constant 0 : i32
    %dma_start3A_309 = tpu.memref_slice %arg6[%dma_start3A_305, %dma_start3A_307, %dma_start3A_308] : memref<2x800x64xf32, #tpu.memory_space<vmem>> -> memref<1x80x64xf32, #tpu.memory_space<vmem>>
    %dma_start3A_310 = tpu.memref_squeeze %dma_start3A_309 : memref<1x80x64xf32, #tpu.memory_space<vmem>> -> memref<80x64xf32, #tpu.memory_space<vmem>>
    %dma_start3A_311 = arith.constant 960 : i32
    %dma_start3A_312 = tpu.memref_slice %arg5[%dma_start3A_311] : memref<25600xi32, #tpu.memory_space<vmem>> -> memref<80xi32, #tpu.memory_space<vmem>>
    %dma_start3A_313 = arith.constant 0 : i32
    %dma_start3A_314 = arith.constant 0 : i32
    %dma_start3A_315 = tpu.memref_slice %arg3[%dma_start3A_313, %dma_start3A_314] : memref<1000000x64xf32, #tpu.memory_space<hbm>> -> memref<1000000x64xf32, #tpu.memory_space<hbm>>
    %dma_start3A_316 = tpu.memref_slice %arg7[%dma_start3A_306] : memref<2x!tpu.dma_semaphore, #tpu.memory_space<semaphore_mem>> -> memref<1x!tpu.dma_semaphore, #tpu.memory_space<semaphore_mem>>
    %dma_start3A_317 = tpu.memref_squeeze %dma_start3A_316 : memref<1x!tpu.dma_semaphore, #tpu.memory_space<semaphore_mem>> -> memref<!tpu.dma_semaphore, #tpu.memory_space<semaphore_mem>>
    tpu.enqueue_indirect_dma source(%dma_start3A_315 : memref<1000000x64xf32, #tpu.memory_space<hbm>>) target(%dma_start3A_310 : memref<80x64xf32, #tpu.memory_space<vmem>>) offsets(%dma_start3A_312 : memref<80xi32, #tpu.memory_space<vmem>>) semaphore(%dma_start3A_317 : memref<!tpu.dma_semaphore, #tpu.memory_space<semaphore_mem>>)
    %dma_start3A_318 = arith.constant 1 : i32
    %dma_start3A_319 = arith.constant 1 : i32
    %dma_start3A_320 = arith.constant 240 : i32
    %dma_start3A_321 = arith.constant 0 : i32
    %dma_start3A_322 = tpu.memref_slice %arg6[%dma_start3A_318, %dma_start3A_320, %dma_start3A_321] : memref<2x800x64xf32, #tpu.memory_space<vmem>> -> memref<1x80x64xf32, #tpu.memory_space<vmem>>
    %dma_start3A_323 = tpu.memref_squeeze %dma_start3A_322 : memref<1x80x64xf32, #tpu.memory_space<vmem>> -> memref<80x64xf32, #tpu.memory_space<vmem>>
    %dma_start3A_324 = arith.constant 1040 : i32
    %dma_start3A_325 = tpu.memref_slice %arg5[%dma_start3A_324] : memref<25600xi32, #tpu.memory_space<vmem>> -> memref<80xi32, #tpu.memory_space<vmem>>
    %dma_start3A_326 = arith.constant 0 : i32
    %dma_start3A_327 = arith.constant 0 : i32
    %dma_start3A_328 = tpu.memref_slice %arg3[%dma_start3A_326, %dma_start3A_327] : memref<1000000x64xf32, #tpu.memory_space<hbm>> -> memref<1000000x64xf32, #tpu.memory_space<hbm>>
    %dma_start3A_329 = tpu.memref_slice %arg7[%dma_start3A_319] : memref<2x!tpu.dma_semaphore, #tpu.memory_space<semaphore_mem>> -> memref<1x!tpu.dma_semaphore, #tpu.memory_space<semaphore_mem>>
    %dma_start3A_330 = tpu.memref_squeeze %dma_start3A_329 : memref<1x!tpu.dma_semaphore, #tpu.memory_space<semaphore_mem>> -> memref<!tpu.dma_semaphore, #tpu.memory_space<semaphore_mem>>
    tpu.enqueue_indirect_dma source(%dma_start3A_328 : memref<1000000x64xf32, #tpu.memory_space<hbm>>) target(%dma_start3A_323 : memref<80x64xf32, #tpu.memory_space<vmem>>) offsets(%dma_start3A_325 : memref<80xi32, #tpu.memory_space<vmem>>) semaphore(%dma_start3A_330 : memref<!tpu.dma_semaphore, #tpu.memory_space<semaphore_mem>>)
    %dma_start3A_331 = arith.constant 1 : i32
    %dma_start3A_332 = arith.constant 1 : i32
    %dma_start3A_333 = arith.constant 320 : i32
    %dma_start3A_334 = arith.constant 0 : i32
    %dma_start3A_335 = tpu.memref_slice %arg6[%dma_start3A_331, %dma_start3A_333, %dma_start3A_334] : memref<2x800x64xf32, #tpu.memory_space<vmem>> -> memref<1x80x64xf32, #tpu.memory_space<vmem>>
    %dma_start3A_336 = tpu.memref_squeeze %dma_start3A_335 : memref<1x80x64xf32, #tpu.memory_space<vmem>> -> memref<80x64xf32, #tpu.memory_space<vmem>>
    %dma_start3A_337 = arith.constant 1120 : i32
    %dma_start3A_338 = tpu.memref_slice %arg5[%dma_start3A_337] : memref<25600xi32, #tpu.memory_space<vmem>> -> memref<80xi32, #tpu.memory_space<vmem>>
    %dma_start3A_339 = arith.constant 0 : i32
    %dma_start3A_340 = arith.constant 0 : i32
    %dma_start3A_341 = tpu.memref_slice %arg3[%dma_start3A_339, %dma_start3A_340] : memref<1000000x64xf32, #tpu.memory_space<hbm>> -> memref<1000000x64xf32, #tpu.memory_space<hbm>>
    %dma_start3A_342 = tpu.memref_slice %arg7[%dma_start3A_332] : memref<2x!tpu.dma_semaphore, #tpu.memory_space<semaphore_mem>> -> memref<1x!tpu.dma_semaphore, #tpu.memory_space<semaphore_mem>>
    %dma_start3A_343 = tpu.memref_squeeze %dma_start3A_342 : memref<1x!tpu.dma_semaphore, #tpu.memory_space<semaphore_mem>> -> memref<!tpu.dma_semaphore, #tpu.memory_space<semaphore_mem>>
    tpu.enqueue_indirect_dma source(%dma_start3A_341 : memref<1000000x64xf32, #tpu.memory_space<hbm>>) target(%dma_start3A_336 : memref<80x64xf32, #tpu.memory_space<vmem>>) offsets(%dma_start3A_338 : memref<80xi32, #tpu.memory_space<vmem>>) semaphore(%dma_start3A_343 : memref<!tpu.dma_semaphore, #tpu.memory_space<semaphore_mem>>)
    %dma_start3A_344 = arith.constant 1 : i32
    %dma_start3A_345 = arith.constant 1 : i32
    %dma_start3A_346 = arith.constant 400 : i32
    %dma_start3A_347 = arith.constant 0 : i32
    %dma_start3A_348 = tpu.memref_slice %arg6[%dma_start3A_344, %dma_start3A_346, %dma_start3A_347] : memref<2x800x64xf32, #tpu.memory_space<vmem>> -> memref<1x80x64xf32, #tpu.memory_space<vmem>>
    %dma_start3A_349 = tpu.memref_squeeze %dma_start3A_348 : memref<1x80x64xf32, #tpu.memory_space<vmem>> -> memref<80x64xf32, #tpu.memory_space<vmem>>
    %dma_start3A_350 = arith.constant 1200 : i32
    %dma_start3A_351 = tpu.memref_slice %arg5[%dma_start3A_350] : memref<25600xi32, #tpu.memory_space<vmem>> -> memref<80xi32, #tpu.memory_space<vmem>>
    %dma_start3A_352 = arith.constant 0 : i32
    %dma_start3A_353 = arith.constant 0 : i32
    %dma_start3A_354 = tpu.memref_slice %arg3[%dma_start3A_352, %dma_start3A_353] : memref<1000000x64xf32, #tpu.memory_space<hbm>> -> memref<1000000x64xf32, #tpu.memory_space<hbm>>
    %dma_start3A_355 = tpu.memref_slice %arg7[%dma_start3A_345] : memref<2x!tpu.dma_semaphore, #tpu.memory_space<semaphore_mem>> -> memref<1x!tpu.dma_semaphore, #tpu.memory_space<semaphore_mem>>
    %dma_start3A_356 = tpu.memref_squeeze %dma_start3A_355 : memref<1x!tpu.dma_semaphore, #tpu.memory_space<semaphore_mem>> -> memref<!tpu.dma_semaphore, #tpu.memory_space<semaphore_mem>>
    tpu.enqueue_indirect_dma source(%dma_start3A_354 : memref<1000000x64xf32, #tpu.memory_space<hbm>>) target(%dma_start3A_349 : memref<80x64xf32, #tpu.memory_space<vmem>>) offsets(%dma_start3A_351 : memref<80xi32, #tpu.memory_space<vmem>>) semaphore(%dma_start3A_356 : memref<!tpu.dma_semaphore, #tpu.memory_space<semaphore_mem>>)
    %dma_start3A_357 = arith.constant 1 : i32
    %dma_start3A_358 = arith.constant 1 : i32
    %dma_start3A_359 = arith.constant 480 : i32
    %dma_start3A_360 = arith.constant 0 : i32
    %dma_start3A_361 = tpu.memref_slice %arg6[%dma_start3A_357, %dma_start3A_359, %dma_start3A_360] : memref<2x800x64xf32, #tpu.memory_space<vmem>> -> memref<1x80x64xf32, #tpu.memory_space<vmem>>
    %dma_start3A_362 = tpu.memref_squeeze %dma_start3A_361 : memref<1x80x64xf32, #tpu.memory_space<vmem>> -> memref<80x64xf32, #tpu.memory_space<vmem>>
    %dma_start3A_363 = arith.constant 1280 : i32
    %dma_start3A_364 = tpu.memref_slice %arg5[%dma_start3A_363] : memref<25600xi32, #tpu.memory_space<vmem>> -> memref<80xi32, #tpu.memory_space<vmem>>
    %dma_start3A_365 = arith.constant 0 : i32
    %dma_start3A_366 = arith.constant 0 : i32
    %dma_start3A_367 = tpu.memref_slice %arg3[%dma_start3A_365, %dma_start3A_366] : memref<1000000x64xf32, #tpu.memory_space<hbm>> -> memref<1000000x64xf32, #tpu.memory_space<hbm>>
    %dma_start3A_368 = tpu.memref_slice %arg7[%dma_start3A_358] : memref<2x!tpu.dma_semaphore, #tpu.memory_space<semaphore_mem>> -> memref<1x!tpu.dma_semaphore, #tpu.memory_space<semaphore_mem>>
    %dma_start3A_369 = tpu.memref_squeeze %dma_start3A_368 : memref<1x!tpu.dma_semaphore, #tpu.memory_space<semaphore_mem>> -> memref<!tpu.dma_semaphore, #tpu.memory_space<semaphore_mem>>
    tpu.enqueue_indirect_dma source(%dma_start3A_367 : memref<1000000x64xf32, #tpu.memory_space<hbm>>) target(%dma_start3A_362 : memref<80x64xf32, #tpu.memory_space<vmem>>) offsets(%dma_start3A_364 : memref<80xi32, #tpu.memory_space<vmem>>) semaphore(%dma_start3A_369 : memref<!tpu.dma_semaphore, #tpu.memory_space<semaphore_mem>>)
    %dma_start3A_370 = arith.constant 1 : i32
    %dma_start3A_371 = arith.constant 1 : i32
    %dma_start3A_372 = arith.constant 560 : i32
    %dma_start3A_373 = arith.constant 0 : i32
    %dma_start3A_374 = tpu.memref_slice %arg6[%dma_start3A_370, %dma_start3A_372, %dma_start3A_373] : memref<2x800x64xf32, #tpu.memory_space<vmem>> -> memref<1x80x64xf32, #tpu.memory_space<vmem>>
    %dma_start3A_375 = tpu.memref_squeeze %dma_start3A_374 : memref<1x80x64xf32, #tpu.memory_space<vmem>> -> memref<80x64xf32, #tpu.memory_space<vmem>>
    %dma_start3A_376 = arith.constant 1360 : i32
    %dma_start3A_377 = tpu.memref_slice %arg5[%dma_start3A_376] : memref<25600xi32, #tpu.memory_space<vmem>> -> memref<80xi32, #tpu.memory_space<vmem>>
    %dma_start3A_378 = arith.constant 0 : i32
    %dma_start3A_379 = arith.constant 0 : i32
    %dma_start3A_380 = tpu.memref_slice %arg3[%dma_start3A_378, %dma_start3A_379] : memref<1000000x64xf32, #tpu.memory_space<hbm>> -> memref<1000000x64xf32, #tpu.memory_space<hbm>>
    %dma_start3A_381 = tpu.memref_slice %arg7[%dma_start3A_371] : memref<2x!tpu.dma_semaphore, #tpu.memory_space<semaphore_mem>> -> memref<1x!tpu.dma_semaphore, #tpu.memory_space<semaphore_mem>>
    %dma_start3A_382 = tpu.memref_squeeze %dma_start3A_381 : memref<1x!tpu.dma_semaphore, #tpu.memory_space<semaphore_mem>> -> memref<!tpu.dma_semaphore, #tpu.memory_space<semaphore_mem>>
    tpu.enqueue_indirect_dma source(%dma_start3A_380 : memref<1000000x64xf32, #tpu.memory_space<hbm>>) target(%dma_start3A_375 : memref<80x64xf32, #tpu.memory_space<vmem>>) offsets(%dma_start3A_377 : memref<80xi32, #tpu.memory_space<vmem>>) semaphore(%dma_start3A_382 : memref<!tpu.dma_semaphore, #tpu.memory_space<semaphore_mem>>)
    %dma_start3A_383 = arith.constant 1 : i32
    %dma_start3A_384 = arith.constant 1 : i32
    %dma_start3A_385 = arith.constant 640 : i32
    %dma_start3A_386 = arith.constant 0 : i32
    %dma_start3A_387 = tpu.memref_slice %arg6[%dma_start3A_383, %dma_start3A_385, %dma_start3A_386] : memref<2x800x64xf32, #tpu.memory_space<vmem>> -> memref<1x80x64xf32, #tpu.memory_space<vmem>>
    %dma_start3A_388 = tpu.memref_squeeze %dma_start3A_387 : memref<1x80x64xf32, #tpu.memory_space<vmem>> -> memref<80x64xf32, #tpu.memory_space<vmem>>
    %dma_start3A_389 = arith.constant 1440 : i32
    %dma_start3A_390 = tpu.memref_slice %arg5[%dma_start3A_389] : memref<25600xi32, #tpu.memory_space<vmem>> -> memref<80xi32, #tpu.memory_space<vmem>>
    %dma_start3A_391 = arith.constant 0 : i32
    %dma_start3A_392 = arith.constant 0 : i32
    %dma_start3A_393 = tpu.memref_slice %arg3[%dma_start3A_391, %dma_start3A_392] : memref<1000000x64xf32, #tpu.memory_space<hbm>> -> memref<1000000x64xf32, #tpu.memory_space<hbm>>
    %dma_start3A_394 = tpu.memref_slice %arg7[%dma_start3A_384] : memref<2x!tpu.dma_semaphore, #tpu.memory_space<semaphore_mem>> -> memref<1x!tpu.dma_semaphore, #tpu.memory_space<semaphore_mem>>
    %dma_start3A_395 = tpu.memref_squeeze %dma_start3A_394 : memref<1x!tpu.dma_semaphore, #tpu.memory_space<semaphore_mem>> -> memref<!tpu.dma_semaphore, #tpu.memory_space<semaphore_mem>>
    tpu.enqueue_indirect_dma source(%dma_start3A_393 : memref<1000000x64xf32, #tpu.memory_space<hbm>>) target(%dma_start3A_388 : memref<80x64xf32, #tpu.memory_space<vmem>>) offsets(%dma_start3A_390 : memref<80xi32, #tpu.memory_space<vmem>>) semaphore(%dma_start3A_395 : memref<!tpu.dma_semaphore, #tpu.memory_space<semaphore_mem>>)
    %dma_start3A_396 = arith.constant 1 : i32
    %dma_start3A_397 = arith.constant 1 : i32
    %dma_start3A_398 = arith.constant 720 : i32
    %dma_start3A_399 = arith.constant 0 : i32
    %dma_start3A_400 = tpu.memref_slice %arg6[%dma_start3A_396, %dma_start3A_398, %dma_start3A_399] : memref<2x800x64xf32, #tpu.memory_space<vmem>> -> memref<1x80x64xf32, #tpu.memory_space<vmem>>
    %dma_start3A_401 = tpu.memref_squeeze %dma_start3A_400 : memref<1x80x64xf32, #tpu.memory_space<vmem>> -> memref<80x64xf32, #tpu.memory_space<vmem>>
    %dma_start3A_402 = arith.constant 1520 : i32
    %dma_start3A_403 = tpu.memref_slice %arg5[%dma_start3A_402] : memref<25600xi32, #tpu.memory_space<vmem>> -> memref<80xi32, #tpu.memory_space<vmem>>
    %dma_start3A_404 = arith.constant 0 : i32
    %dma_start3A_405 = arith.constant 0 : i32
    %dma_start3A_406 = tpu.memref_slice %arg3[%dma_start3A_404, %dma_start3A_405] : memref<1000000x64xf32, #tpu.memory_space<hbm>> -> memref<1000000x64xf32, #tpu.memory_space<hbm>>
    %dma_start3A_407 = tpu.memref_slice %arg7[%dma_start3A_397] : memref<2x!tpu.dma_semaphore, #tpu.memory_space<semaphore_mem>> -> memref<1x!tpu.dma_semaphore, #tpu.memory_space<semaphore_mem>>
    %dma_start3A_408 = tpu.memref_squeeze %dma_start3A_407 : memref<1x!tpu.dma_semaphore, #tpu.memory_space<semaphore_mem>> -> memref<!tpu.dma_semaphore, #tpu.memory_space<semaphore_mem>>
    tpu.enqueue_indirect_dma source(%dma_start3A_406 : memref<1000000x64xf32, #tpu.memory_space<hbm>>) target(%dma_start3A_401 : memref<80x64xf32, #tpu.memory_space<vmem>>) offsets(%dma_start3A_403 : memref<80xi32, #tpu.memory_space<vmem>>) semaphore(%dma_start3A_408 : memref<!tpu.dma_semaphore, #tpu.memory_space<semaphore_mem>>)
    %scan3A = arith.constant 2 : i32
    %scan3A_409 = arith.constant 30 : i32
    %scan3A_410 = arith.addi %scan3A, %scan3A_409 : i32
    %scan3A_411 = arith.constant 1 : i32
    scf.for %scan3A_597 = %scan3A to %scan3A_410 step %scan3A_411  : i32 {
      %rem3A = arith.constant 2 : i32
      %rem3A_598 = arith.remsi %scan3A_597, %rem3A : i32
      %sub3A = arith.constant 1 : i32
      %sub3A_599 = arith.subi %sub3A, %rem3A_598 : i32
      %sub3A_600 = arith.constant 1 : i32
      %sub3A_601 = arith.subi %scan3A_597, %sub3A_600 : i32
      %mul3A_602 = arith.constant 800 : i32
      %mul3A_603 = arith.muli %sub3A_601, %mul3A_602 : i32
      %add3A_604 = arith.constant 0 : i32
      %add3A_605 = arith.addi %mul3A_603, %add3A_604 : i32
      %dma_wait3A_606 = arith.constant 0 : i32
      %dma_wait3A_607 = arith.constant 0 : i32
      %dma_wait3A_608 = tpu.memref_slice %arg6[%sub3A_599, %dma_wait3A_606, %dma_wait3A_607] : memref<2x800x64xf32, #tpu.memory_space<vmem>> -> memref<1x80x64xf32, #tpu.memory_space<vmem>>
      %dma_wait3A_609 = tpu.memref_squeeze %dma_wait3A_608 : memref<1x80x64xf32, #tpu.memory_space<vmem>> -> memref<80x64xf32, #tpu.memory_space<vmem>>
      %dma_wait3A_610 = tpu.memref_slice %arg5[%add3A_605] : memref<25600xi32, #tpu.memory_space<vmem>> -> memref<80xi32, #tpu.memory_space<vmem>>
      %dma_wait3A_611 = arith.constant 0 : i32
      %dma_wait3A_612 = arith.constant 0 : i32
      %dma_wait3A_613 = tpu.memref_slice %arg3[%dma_wait3A_611, %dma_wait3A_612] : memref<1000000x64xf32, #tpu.memory_space<hbm>> -> memref<1000000x64xf32, #tpu.memory_space<hbm>>
      %dma_wait3A_614 = tpu.memref_slice %arg7[%sub3A_599] : memref<2x!tpu.dma_semaphore, #tpu.memory_space<semaphore_mem>> -> memref<1x!tpu.dma_semaphore, #tpu.memory_space<semaphore_mem>>
      %dma_wait3A_615 = tpu.memref_squeeze %dma_wait3A_614 : memref<1x!tpu.dma_semaphore, #tpu.memory_space<semaphore_mem>> -> memref<!tpu.dma_semaphore, #tpu.memory_space<semaphore_mem>>
      tpu.wait_indirect_dma semaphore(%dma_wait3A_615 : memref<!tpu.dma_semaphore, #tpu.memory_space<semaphore_mem>>) src(%dma_wait3A_613 : memref<1000000x64xf32, #tpu.memory_space<hbm>>) dst(%dma_wait3A_609 : memref<80x64xf32, #tpu.memory_space<vmem>>)
      %mul3A_616 = arith.constant 800 : i32
      %mul3A_617 = arith.muli %sub3A_601, %mul3A_616 : i32
      %add3A_618 = arith.constant 80 : i32
      %add3A_619 = arith.addi %mul3A_617, %add3A_618 : i32
      %dma_wait3A_620 = arith.constant 80 : i32
      %dma_wait3A_621 = arith.constant 0 : i32
      %dma_wait3A_622 = tpu.memref_slice %arg6[%sub3A_599, %dma_wait3A_620, %dma_wait3A_621] : memref<2x800x64xf32, #tpu.memory_space<vmem>> -> memref<1x80x64xf32, #tpu.memory_space<vmem>>
      %dma_wait3A_623 = tpu.memref_squeeze %dma_wait3A_622 : memref<1x80x64xf32, #tpu.memory_space<vmem>> -> memref<80x64xf32, #tpu.memory_space<vmem>>
      %dma_wait3A_624 = tpu.memref_slice %arg5[%add3A_619] : memref<25600xi32, #tpu.memory_space<vmem>> -> memref<80xi32, #tpu.memory_space<vmem>>
      %dma_wait3A_625 = arith.constant 0 : i32
      %dma_wait3A_626 = arith.constant 0 : i32
      %dma_wait3A_627 = tpu.memref_slice %arg3[%dma_wait3A_625, %dma_wait3A_626] : memref<1000000x64xf32, #tpu.memory_space<hbm>> -> memref<1000000x64xf32, #tpu.memory_space<hbm>>
      %dma_wait3A_628 = tpu.memref_slice %arg7[%sub3A_599] : memref<2x!tpu.dma_semaphore, #tpu.memory_space<semaphore_mem>> -> memref<1x!tpu.dma_semaphore, #tpu.memory_space<semaphore_mem>>
      %dma_wait3A_629 = tpu.memref_squeeze %dma_wait3A_628 : memref<1x!tpu.dma_semaphore, #tpu.memory_space<semaphore_mem>> -> memref<!tpu.dma_semaphore, #tpu.memory_space<semaphore_mem>>
      tpu.wait_indirect_dma semaphore(%dma_wait3A_629 : memref<!tpu.dma_semaphore, #tpu.memory_space<semaphore_mem>>) src(%dma_wait3A_627 : memref<1000000x64xf32, #tpu.memory_space<hbm>>) dst(%dma_wait3A_623 : memref<80x64xf32, #tpu.memory_space<vmem>>)
      %mul3A_630 = arith.constant 800 : i32
      %mul3A_631 = arith.muli %sub3A_601, %mul3A_630 : i32
      %add3A_632 = arith.constant 160 : i32
      %add3A_633 = arith.addi %mul3A_631, %add3A_632 : i32
      %dma_wait3A_634 = arith.constant 160 : i32
      %dma_wait3A_635 = arith.constant 0 : i32
      %dma_wait3A_636 = tpu.memref_slice %arg6[%sub3A_599, %dma_wait3A_634, %dma_wait3A_635] : memref<2x800x64xf32, #tpu.memory_space<vmem>> -> memref<1x80x64xf32, #tpu.memory_space<vmem>>
      %dma_wait3A_637 = tpu.memref_squeeze %dma_wait3A_636 : memref<1x80x64xf32, #tpu.memory_space<vmem>> -> memref<80x64xf32, #tpu.memory_space<vmem>>
      %dma_wait3A_638 = tpu.memref_slice %arg5[%add3A_633] : memref<25600xi32, #tpu.memory_space<vmem>> -> memref<80xi32, #tpu.memory_space<vmem>>
      %dma_wait3A_639 = arith.constant 0 : i32
      %dma_wait3A_640 = arith.constant 0 : i32
      %dma_wait3A_641 = tpu.memref_slice %arg3[%dma_wait3A_639, %dma_wait3A_640] : memref<1000000x64xf32, #tpu.memory_space<hbm>> -> memref<1000000x64xf32, #tpu.memory_space<hbm>>
      %dma_wait3A_642 = tpu.memref_slice %arg7[%sub3A_599] : memref<2x!tpu.dma_semaphore, #tpu.memory_space<semaphore_mem>> -> memref<1x!tpu.dma_semaphore, #tpu.memory_space<semaphore_mem>>
      %dma_wait3A_643 = tpu.memref_squeeze %dma_wait3A_642 : memref<1x!tpu.dma_semaphore, #tpu.memory_space<semaphore_mem>> -> memref<!tpu.dma_semaphore, #tpu.memory_space<semaphore_mem>>
      tpu.wait_indirect_dma semaphore(%dma_wait3A_643 : memref<!tpu.dma_semaphore, #tpu.memory_space<semaphore_mem>>) src(%dma_wait3A_641 : memref<1000000x64xf32, #tpu.memory_space<hbm>>) dst(%dma_wait3A_637 : memref<80x64xf32, #tpu.memory_space<vmem>>)
      %mul3A_644 = arith.constant 800 : i32
      %mul3A_645 = arith.muli %sub3A_601, %mul3A_644 : i32
      %add3A_646 = arith.constant 240 : i32
      %add3A_647 = arith.addi %mul3A_645, %add3A_646 : i32
      %dma_wait3A_648 = arith.constant 240 : i32
      %dma_wait3A_649 = arith.constant 0 : i32
      %dma_wait3A_650 = tpu.memref_slice %arg6[%sub3A_599, %dma_wait3A_648, %dma_wait3A_649] : memref<2x800x64xf32, #tpu.memory_space<vmem>> -> memref<1x80x64xf32, #tpu.memory_space<vmem>>
      %dma_wait3A_651 = tpu.memref_squeeze %dma_wait3A_650 : memref<1x80x64xf32, #tpu.memory_space<vmem>> -> memref<80x64xf32, #tpu.memory_space<vmem>>
      %dma_wait3A_652 = tpu.memref_slice %arg5[%add3A_647] : memref<25600xi32, #tpu.memory_space<vmem>> -> memref<80xi32, #tpu.memory_space<vmem>>
      %dma_wait3A_653 = arith.constant 0 : i32
      %dma_wait3A_654 = arith.constant 0 : i32
      %dma_wait3A_655 = tpu.memref_slice %arg3[%dma_wait3A_653, %dma_wait3A_654] : memref<1000000x64xf32, #tpu.memory_space<hbm>> -> memref<1000000x64xf32, #tpu.memory_space<hbm>>
      %dma_wait3A_656 = tpu.memref_slice %arg7[%sub3A_599] : memref<2x!tpu.dma_semaphore, #tpu.memory_space<semaphore_mem>> -> memref<1x!tpu.dma_semaphore, #tpu.memory_space<semaphore_mem>>
      %dma_wait3A_657 = tpu.memref_squeeze %dma_wait3A_656 : memref<1x!tpu.dma_semaphore, #tpu.memory_space<semaphore_mem>> -> memref<!tpu.dma_semaphore, #tpu.memory_space<semaphore_mem>>
      tpu.wait_indirect_dma semaphore(%dma_wait3A_657 : memref<!tpu.dma_semaphore, #tpu.memory_space<semaphore_mem>>) src(%dma_wait3A_655 : memref<1000000x64xf32, #tpu.memory_space<hbm>>) dst(%dma_wait3A_651 : memref<80x64xf32, #tpu.memory_space<vmem>>)
      %mul3A_658 = arith.constant 800 : i32
      %mul3A_659 = arith.muli %sub3A_601, %mul3A_658 : i32
      %add3A_660 = arith.constant 320 : i32
      %add3A_661 = arith.addi %mul3A_659, %add3A_660 : i32
      %dma_wait3A_662 = arith.constant 320 : i32
      %dma_wait3A_663 = arith.constant 0 : i32
      %dma_wait3A_664 = tpu.memref_slice %arg6[%sub3A_599, %dma_wait3A_662, %dma_wait3A_663] : memref<2x800x64xf32, #tpu.memory_space<vmem>> -> memref<1x80x64xf32, #tpu.memory_space<vmem>>
      %dma_wait3A_665 = tpu.memref_squeeze %dma_wait3A_664 : memref<1x80x64xf32, #tpu.memory_space<vmem>> -> memref<80x64xf32, #tpu.memory_space<vmem>>
      %dma_wait3A_666 = tpu.memref_slice %arg5[%add3A_661] : memref<25600xi32, #tpu.memory_space<vmem>> -> memref<80xi32, #tpu.memory_space<vmem>>
      %dma_wait3A_667 = arith.constant 0 : i32
      %dma_wait3A_668 = arith.constant 0 : i32
      %dma_wait3A_669 = tpu.memref_slice %arg3[%dma_wait3A_667, %dma_wait3A_668] : memref<1000000x64xf32, #tpu.memory_space<hbm>> -> memref<1000000x64xf32, #tpu.memory_space<hbm>>
      %dma_wait3A_670 = tpu.memref_slice %arg7[%sub3A_599] : memref<2x!tpu.dma_semaphore, #tpu.memory_space<semaphore_mem>> -> memref<1x!tpu.dma_semaphore, #tpu.memory_space<semaphore_mem>>
      %dma_wait3A_671 = tpu.memref_squeeze %dma_wait3A_670 : memref<1x!tpu.dma_semaphore, #tpu.memory_space<semaphore_mem>> -> memref<!tpu.dma_semaphore, #tpu.memory_space<semaphore_mem>>
      tpu.wait_indirect_dma semaphore(%dma_wait3A_671 : memref<!tpu.dma_semaphore, #tpu.memory_space<semaphore_mem>>) src(%dma_wait3A_669 : memref<1000000x64xf32, #tpu.memory_space<hbm>>) dst(%dma_wait3A_665 : memref<80x64xf32, #tpu.memory_space<vmem>>)
      %mul3A_672 = arith.constant 800 : i32
      %mul3A_673 = arith.muli %sub3A_601, %mul3A_672 : i32
      %add3A_674 = arith.constant 400 : i32
      %add3A_675 = arith.addi %mul3A_673, %add3A_674 : i32
      %dma_wait3A_676 = arith.constant 400 : i32
      %dma_wait3A_677 = arith.constant 0 : i32
      %dma_wait3A_678 = tpu.memref_slice %arg6[%sub3A_599, %dma_wait3A_676, %dma_wait3A_677] : memref<2x800x64xf32, #tpu.memory_space<vmem>> -> memref<1x80x64xf32, #tpu.memory_space<vmem>>
      %dma_wait3A_679 = tpu.memref_squeeze %dma_wait3A_678 : memref<1x80x64xf32, #tpu.memory_space<vmem>> -> memref<80x64xf32, #tpu.memory_space<vmem>>
      %dma_wait3A_680 = tpu.memref_slice %arg5[%add3A_675] : memref<25600xi32, #tpu.memory_space<vmem>> -> memref<80xi32, #tpu.memory_space<vmem>>
      %dma_wait3A_681 = arith.constant 0 : i32
      %dma_wait3A_682 = arith.constant 0 : i32
      %dma_wait3A_683 = tpu.memref_slice %arg3[%dma_wait3A_681, %dma_wait3A_682] : memref<1000000x64xf32, #tpu.memory_space<hbm>> -> memref<1000000x64xf32, #tpu.memory_space<hbm>>
      %dma_wait3A_684 = tpu.memref_slice %arg7[%sub3A_599] : memref<2x!tpu.dma_semaphore, #tpu.memory_space<semaphore_mem>> -> memref<1x!tpu.dma_semaphore, #tpu.memory_space<semaphore_mem>>
      %dma_wait3A_685 = tpu.memref_squeeze %dma_wait3A_684 : memref<1x!tpu.dma_semaphore, #tpu.memory_space<semaphore_mem>> -> memref<!tpu.dma_semaphore, #tpu.memory_space<semaphore_mem>>
      tpu.wait_indirect_dma semaphore(%dma_wait3A_685 : memref<!tpu.dma_semaphore, #tpu.memory_space<semaphore_mem>>) src(%dma_wait3A_683 : memref<1000000x64xf32, #tpu.memory_space<hbm>>) dst(%dma_wait3A_679 : memref<80x64xf32, #tpu.memory_space<vmem>>)
      %mul3A_686 = arith.constant 800 : i32
      %mul3A_687 = arith.muli %sub3A_601, %mul3A_686 : i32
      %add3A_688 = arith.constant 480 : i32
      %add3A_689 = arith.addi %mul3A_687, %add3A_688 : i32
      %dma_wait3A_690 = arith.constant 480 : i32
      %dma_wait3A_691 = arith.constant 0 : i32
      %dma_wait3A_692 = tpu.memref_slice %arg6[%sub3A_599, %dma_wait3A_690, %dma_wait3A_691] : memref<2x800x64xf32, #tpu.memory_space<vmem>> -> memref<1x80x64xf32, #tpu.memory_space<vmem>>
      %dma_wait3A_693 = tpu.memref_squeeze %dma_wait3A_692 : memref<1x80x64xf32, #tpu.memory_space<vmem>> -> memref<80x64xf32, #tpu.memory_space<vmem>>
      %dma_wait3A_694 = tpu.memref_slice %arg5[%add3A_689] : memref<25600xi32, #tpu.memory_space<vmem>> -> memref<80xi32, #tpu.memory_space<vmem>>
      %dma_wait3A_695 = arith.constant 0 : i32
      %dma_wait3A_696 = arith.constant 0 : i32
      %dma_wait3A_697 = tpu.memref_slice %arg3[%dma_wait3A_695, %dma_wait3A_696] : memref<1000000x64xf32, #tpu.memory_space<hbm>> -> memref<1000000x64xf32, #tpu.memory_space<hbm>>
      %dma_wait3A_698 = tpu.memref_slice %arg7[%sub3A_599] : memref<2x!tpu.dma_semaphore, #tpu.memory_space<semaphore_mem>> -> memref<1x!tpu.dma_semaphore, #tpu.memory_space<semaphore_mem>>
      %dma_wait3A_699 = tpu.memref_squeeze %dma_wait3A_698 : memref<1x!tpu.dma_semaphore, #tpu.memory_space<semaphore_mem>> -> memref<!tpu.dma_semaphore, #tpu.memory_space<semaphore_mem>>
      tpu.wait_indirect_dma semaphore(%dma_wait3A_699 : memref<!tpu.dma_semaphore, #tpu.memory_space<semaphore_mem>>) src(%dma_wait3A_697 : memref<1000000x64xf32, #tpu.memory_space<hbm>>) dst(%dma_wait3A_693 : memref<80x64xf32, #tpu.memory_space<vmem>>)
      %mul3A_700 = arith.constant 800 : i32
      %mul3A_701 = arith.muli %sub3A_601, %mul3A_700 : i32
      %add3A_702 = arith.constant 560 : i32
      %add3A_703 = arith.addi %mul3A_701, %add3A_702 : i32
      %dma_wait3A_704 = arith.constant 560 : i32
      %dma_wait3A_705 = arith.constant 0 : i32
      %dma_wait3A_706 = tpu.memref_slice %arg6[%sub3A_599, %dma_wait3A_704, %dma_wait3A_705] : memref<2x800x64xf32, #tpu.memory_space<vmem>> -> memref<1x80x64xf32, #tpu.memory_space<vmem>>
      %dma_wait3A_707 = tpu.memref_squeeze %dma_wait3A_706 : memref<1x80x64xf32, #tpu.memory_space<vmem>> -> memref<80x64xf32, #tpu.memory_space<vmem>>
      %dma_wait3A_708 = tpu.memref_slice %arg5[%add3A_703] : memref<25600xi32, #tpu.memory_space<vmem>> -> memref<80xi32, #tpu.memory_space<vmem>>
      %dma_wait3A_709 = arith.constant 0 : i32
      %dma_wait3A_710 = arith.constant 0 : i32
      %dma_wait3A_711 = tpu.memref_slice %arg3[%dma_wait3A_709, %dma_wait3A_710] : memref<1000000x64xf32, #tpu.memory_space<hbm>> -> memref<1000000x64xf32, #tpu.memory_space<hbm>>
      %dma_wait3A_712 = tpu.memref_slice %arg7[%sub3A_599] : memref<2x!tpu.dma_semaphore, #tpu.memory_space<semaphore_mem>> -> memref<1x!tpu.dma_semaphore, #tpu.memory_space<semaphore_mem>>
      %dma_wait3A_713 = tpu.memref_squeeze %dma_wait3A_712 : memref<1x!tpu.dma_semaphore, #tpu.memory_space<semaphore_mem>> -> memref<!tpu.dma_semaphore, #tpu.memory_space<semaphore_mem>>
      tpu.wait_indirect_dma semaphore(%dma_wait3A_713 : memref<!tpu.dma_semaphore, #tpu.memory_space<semaphore_mem>>) src(%dma_wait3A_711 : memref<1000000x64xf32, #tpu.memory_space<hbm>>) dst(%dma_wait3A_707 : memref<80x64xf32, #tpu.memory_space<vmem>>)
      %mul3A_714 = arith.constant 800 : i32
      %mul3A_715 = arith.muli %sub3A_601, %mul3A_714 : i32
      %add3A_716 = arith.constant 640 : i32
      %add3A_717 = arith.addi %mul3A_715, %add3A_716 : i32
      %dma_wait3A_718 = arith.constant 640 : i32
      %dma_wait3A_719 = arith.constant 0 : i32
      %dma_wait3A_720 = tpu.memref_slice %arg6[%sub3A_599, %dma_wait3A_718, %dma_wait3A_719] : memref<2x800x64xf32, #tpu.memory_space<vmem>> -> memref<1x80x64xf32, #tpu.memory_space<vmem>>
      %dma_wait3A_721 = tpu.memref_squeeze %dma_wait3A_720 : memref<1x80x64xf32, #tpu.memory_space<vmem>> -> memref<80x64xf32, #tpu.memory_space<vmem>>
      %dma_wait3A_722 = tpu.memref_slice %arg5[%add3A_717] : memref<25600xi32, #tpu.memory_space<vmem>> -> memref<80xi32, #tpu.memory_space<vmem>>
      %dma_wait3A_723 = arith.constant 0 : i32
      %dma_wait3A_724 = arith.constant 0 : i32
      %dma_wait3A_725 = tpu.memref_slice %arg3[%dma_wait3A_723, %dma_wait3A_724] : memref<1000000x64xf32, #tpu.memory_space<hbm>> -> memref<1000000x64xf32, #tpu.memory_space<hbm>>
      %dma_wait3A_726 = tpu.memref_slice %arg7[%sub3A_599] : memref<2x!tpu.dma_semaphore, #tpu.memory_space<semaphore_mem>> -> memref<1x!tpu.dma_semaphore, #tpu.memory_space<semaphore_mem>>
      %dma_wait3A_727 = tpu.memref_squeeze %dma_wait3A_726 : memref<1x!tpu.dma_semaphore, #tpu.memory_space<semaphore_mem>> -> memref<!tpu.dma_semaphore, #tpu.memory_space<semaphore_mem>>
      tpu.wait_indirect_dma semaphore(%dma_wait3A_727 : memref<!tpu.dma_semaphore, #tpu.memory_space<semaphore_mem>>) src(%dma_wait3A_725 : memref<1000000x64xf32, #tpu.memory_space<hbm>>) dst(%dma_wait3A_721 : memref<80x64xf32, #tpu.memory_space<vmem>>)
      %mul3A_728 = arith.constant 800 : i32
      %mul3A_729 = arith.muli %sub3A_601, %mul3A_728 : i32
      %add3A_730 = arith.constant 720 : i32
      %add3A_731 = arith.addi %mul3A_729, %add3A_730 : i32
      %dma_wait3A_732 = arith.constant 720 : i32
      %dma_wait3A_733 = arith.constant 0 : i32
      %dma_wait3A_734 = tpu.memref_slice %arg6[%sub3A_599, %dma_wait3A_732, %dma_wait3A_733] : memref<2x800x64xf32, #tpu.memory_space<vmem>> -> memref<1x80x64xf32, #tpu.memory_space<vmem>>
      %dma_wait3A_735 = tpu.memref_squeeze %dma_wait3A_734 : memref<1x80x64xf32, #tpu.memory_space<vmem>> -> memref<80x64xf32, #tpu.memory_space<vmem>>
      %dma_wait3A_736 = tpu.memref_slice %arg5[%add3A_731] : memref<25600xi32, #tpu.memory_space<vmem>> -> memref<80xi32, #tpu.memory_space<vmem>>
      %dma_wait3A_737 = arith.constant 0 : i32
      %dma_wait3A_738 = arith.constant 0 : i32
      %dma_wait3A_739 = tpu.memref_slice %arg3[%dma_wait3A_737, %dma_wait3A_738] : memref<1000000x64xf32, #tpu.memory_space<hbm>> -> memref<1000000x64xf32, #tpu.memory_space<hbm>>
      %dma_wait3A_740 = tpu.memref_slice %arg7[%sub3A_599] : memref<2x!tpu.dma_semaphore, #tpu.memory_space<semaphore_mem>> -> memref<1x!tpu.dma_semaphore, #tpu.memory_space<semaphore_mem>>
      %dma_wait3A_741 = tpu.memref_squeeze %dma_wait3A_740 : memref<1x!tpu.dma_semaphore, #tpu.memory_space<semaphore_mem>> -> memref<!tpu.dma_semaphore, #tpu.memory_space<semaphore_mem>>
      tpu.wait_indirect_dma semaphore(%dma_wait3A_741 : memref<!tpu.dma_semaphore, #tpu.memory_space<semaphore_mem>>) src(%dma_wait3A_739 : memref<1000000x64xf32, #tpu.memory_space<hbm>>) dst(%dma_wait3A_735 : memref<80x64xf32, #tpu.memory_space<vmem>>)
      %sub3A_742 = arith.constant 1 : i32
      %sub3A_743 = arith.subi %scan3A_597, %sub3A_742 : i32
      %mul3A_744 = arith.constant 800 : i32
      %mul3A_745 = arith.muli %sub3A_743, %mul3A_744 : i32
      %add3A_746 = arith.addi %mul3A_2, %mul3A_745 : i32
      %dma_start3A_747 = arith.constant 0 : i32
      %dma_start3A_748 = arith.constant 0 : i32
      %dma_start3A_749 = tpu.memref_slice %arg6[%sub3A_599, %dma_start3A_747, %dma_start3A_748] : memref<2x800x64xf32, #tpu.memory_space<vmem>> -> memref<1x800x64xf32, #tpu.memory_space<vmem>>
      %dma_start3A_750 = tpu.memref_squeeze %dma_start3A_749 : memref<1x800x64xf32, #tpu.memory_space<vmem>> -> memref<800x64xf32, #tpu.memory_space<vmem>>
      %dma_start3A_751 = arith.constant 0 : i32
      %dma_start3A_752 = tpu.memref_slice %arg4[%add3A_746, %dma_start3A_751] : memref<819200x64xf32, #tpu.memory_space<hbm>> -> memref<800x64xf32, #tpu.memory_space<hbm>>
      %dma_start3A_753 = tpu.memref_slice %arg8[%sub3A_599] : memref<2x!tpu.dma_semaphore, #tpu.memory_space<semaphore_mem>> -> memref<1x!tpu.dma_semaphore, #tpu.memory_space<semaphore_mem>>
      %dma_start3A_754 = tpu.memref_squeeze %dma_start3A_753 : memref<1x!tpu.dma_semaphore, #tpu.memory_space<semaphore_mem>> -> memref<!tpu.dma_semaphore, #tpu.memory_space<semaphore_mem>>
      %dma_start3A_755 = arith.constant 0 : i32
      %dma_start3A_756 = tpu.memref_slice %arg4[%add3A_746, %dma_start3A_755] : memref<819200x64xf32, #tpu.memory_space<hbm>> -> memref<800x64xf32, #tpu.memory_space<hbm>>
      %dma_start3A_757 = arith.constant 0 : i32
      %dma_start3A_758 = arith.constant 0 : i32
      %dma_start3A_759 = tpu.memref_slice %arg6[%sub3A_599, %dma_start3A_757, %dma_start3A_758] : memref<2x800x64xf32, #tpu.memory_space<vmem>> -> memref<1x800x64xf32, #tpu.memory_space<vmem>>
      %dma_start3A_760 = tpu.memref_squeeze %dma_start3A_759 : memref<1x800x64xf32, #tpu.memory_space<vmem>> -> memref<800x64xf32, #tpu.memory_space<vmem>>
      tpu.enqueue_dma source(%dma_start3A_760 : memref<800x64xf32, #tpu.memory_space<vmem>>) target(%dma_start3A_756 : memref<800x64xf32, #tpu.memory_space<hbm>>) target_semaphore(%dma_start3A_754 : memref<!tpu.dma_semaphore, #tpu.memory_space<semaphore_mem>>)
      %sub3A_761 = arith.constant 2 : i32
      %sub3A_762 = arith.subi %scan3A_597, %sub3A_761 : i32
      %mul3A_763 = arith.constant 800 : i32
      %mul3A_764 = arith.muli %sub3A_762, %mul3A_763 : i32
      %add3A_765 = arith.addi %mul3A_2, %mul3A_764 : i32
      %dma_wait3A_766 = arith.constant 0 : i32
      %dma_wait3A_767 = arith.constant 0 : i32
      %dma_wait3A_768 = tpu.memref_slice %arg6[%rem3A_598, %dma_wait3A_766, %dma_wait3A_767] : memref<2x800x64xf32, #tpu.memory_space<vmem>> -> memref<1x800x64xf32, #tpu.memory_space<vmem>>
      %dma_wait3A_769 = tpu.memref_squeeze %dma_wait3A_768 : memref<1x800x64xf32, #tpu.memory_space<vmem>> -> memref<800x64xf32, #tpu.memory_space<vmem>>
      %dma_wait3A_770 = arith.constant 0 : i32
      %dma_wait3A_771 = tpu.memref_slice %arg4[%add3A_765, %dma_wait3A_770] : memref<819200x64xf32, #tpu.memory_space<hbm>> -> memref<800x64xf32, #tpu.memory_space<hbm>>
      %dma_wait3A_772 = tpu.memref_slice %arg8[%rem3A_598] : memref<2x!tpu.dma_semaphore, #tpu.memory_space<semaphore_mem>> -> memref<1x!tpu.dma_semaphore, #tpu.memory_space<semaphore_mem>>
      %dma_wait3A_773 = tpu.memref_squeeze %dma_wait3A_772 : memref<1x!tpu.dma_semaphore, #tpu.memory_space<semaphore_mem>> -> memref<!tpu.dma_semaphore, #tpu.memory_space<semaphore_mem>>
      %dma_wait3A_774 = arith.constant 0 : i32
      %dma_wait3A_775 = tpu.memref_slice %arg4[%add3A_765, %dma_wait3A_774] : memref<819200x64xf32, #tpu.memory_space<hbm>> -> memref<800x64xf32, #tpu.memory_space<hbm>>
      %dma_wait3A_776 = arith.constant 0 : i32
      %dma_wait3A_777 = arith.constant 0 : i32
      %dma_wait3A_778 = tpu.memref_slice %arg6[%rem3A_598, %dma_wait3A_776, %dma_wait3A_777] : memref<2x800x64xf32, #tpu.memory_space<vmem>> -> memref<1x800x64xf32, #tpu.memory_space<vmem>>
      %dma_wait3A_779 = tpu.memref_squeeze %dma_wait3A_778 : memref<1x800x64xf32, #tpu.memory_space<vmem>> -> memref<800x64xf32, #tpu.memory_space<vmem>>
      tpu.wait_dma2 semaphore(%dma_wait3A_773 : memref<!tpu.dma_semaphore, #tpu.memory_space<semaphore_mem>>) src(%dma_wait3A_779 : memref<800x64xf32, #tpu.memory_space<vmem>>) dst(%dma_wait3A_775 : memref<800x64xf32, #tpu.memory_space<hbm>>)
      %mul3A_780 = arith.constant 800 : i32
      %mul3A_781 = arith.muli %scan3A_597, %mul3A_780 : i32
      %add3A_782 = arith.constant 0 : i32
      %add3A_783 = arith.addi %mul3A_781, %add3A_782 : i32
      %dma_start3A_784 = arith.constant 0 : i32
      %dma_start3A_785 = arith.constant 0 : i32
      %dma_start3A_786 = tpu.memref_slice %arg6[%rem3A_598, %dma_start3A_784, %dma_start3A_785] : memref<2x800x64xf32, #tpu.memory_space<vmem>> -> memref<1x80x64xf32, #tpu.memory_space<vmem>>
      %dma_start3A_787 = tpu.memref_squeeze %dma_start3A_786 : memref<1x80x64xf32, #tpu.memory_space<vmem>> -> memref<80x64xf32, #tpu.memory_space<vmem>>
      %dma_start3A_788 = tpu.memref_slice %arg5[%add3A_783] : memref<25600xi32, #tpu.memory_space<vmem>> -> memref<80xi32, #tpu.memory_space<vmem>>
      %dma_start3A_789 = arith.constant 0 : i32
      %dma_start3A_790 = arith.constant 0 : i32
      %dma_start3A_791 = tpu.memref_slice %arg3[%dma_start3A_789, %dma_start3A_790] : memref<1000000x64xf32, #tpu.memory_space<hbm>> -> memref<1000000x64xf32, #tpu.memory_space<hbm>>
      %dma_start3A_792 = tpu.memref_slice %arg7[%rem3A_598] : memref<2x!tpu.dma_semaphore, #tpu.memory_space<semaphore_mem>> -> memref<1x!tpu.dma_semaphore, #tpu.memory_space<semaphore_mem>>
      %dma_start3A_793 = tpu.memref_squeeze %dma_start3A_792 : memref<1x!tpu.dma_semaphore, #tpu.memory_space<semaphore_mem>> -> memref<!tpu.dma_semaphore, #tpu.memory_space<semaphore_mem>>
      tpu.enqueue_indirect_dma source(%dma_start3A_791 : memref<1000000x64xf32, #tpu.memory_space<hbm>>) target(%dma_start3A_787 : memref<80x64xf32, #tpu.memory_space<vmem>>) offsets(%dma_start3A_788 : memref<80xi32, #tpu.memory_space<vmem>>) semaphore(%dma_start3A_793 : memref<!tpu.dma_semaphore, #tpu.memory_space<semaphore_mem>>)
      %mul3A_794 = arith.constant 800 : i32
      %mul3A_795 = arith.muli %scan3A_597, %mul3A_794 : i32
      %add3A_796 = arith.constant 80 : i32
      %add3A_797 = arith.addi %mul3A_795, %add3A_796 : i32
      %dma_start3A_798 = arith.constant 80 : i32
      %dma_start3A_799 = arith.constant 0 : i32
      %dma_start3A_800 = tpu.memref_slice %arg6[%rem3A_598, %dma_start3A_798, %dma_start3A_799] : memref<2x800x64xf32, #tpu.memory_space<vmem>> -> memref<1x80x64xf32, #tpu.memory_space<vmem>>
      %dma_start3A_801 = tpu.memref_squeeze %dma_start3A_800 : memref<1x80x64xf32, #tpu.memory_space<vmem>> -> memref<80x64xf32, #tpu.memory_space<vmem>>
      %dma_start3A_802 = tpu.memref_slice %arg5[%add3A_797] : memref<25600xi32, #tpu.memory_space<vmem>> -> memref<80xi32, #tpu.memory_space<vmem>>
      %dma_start3A_803 = arith.constant 0 : i32
      %dma_start3A_804 = arith.constant 0 : i32
      %dma_start3A_805 = tpu.memref_slice %arg3[%dma_start3A_803, %dma_start3A_804] : memref<1000000x64xf32, #tpu.memory_space<hbm>> -> memref<1000000x64xf32, #tpu.memory_space<hbm>>
      %dma_start3A_806 = tpu.memref_slice %arg7[%rem3A_598] : memref<2x!tpu.dma_semaphore, #tpu.memory_space<semaphore_mem>> -> memref<1x!tpu.dma_semaphore, #tpu.memory_space<semaphore_mem>>
      %dma_start3A_807 = tpu.memref_squeeze %dma_start3A_806 : memref<1x!tpu.dma_semaphore, #tpu.memory_space<semaphore_mem>> -> memref<!tpu.dma_semaphore, #tpu.memory_space<semaphore_mem>>
      tpu.enqueue_indirect_dma source(%dma_start3A_805 : memref<1000000x64xf32, #tpu.memory_space<hbm>>) target(%dma_start3A_801 : memref<80x64xf32, #tpu.memory_space<vmem>>) offsets(%dma_start3A_802 : memref<80xi32, #tpu.memory_space<vmem>>) semaphore(%dma_start3A_807 : memref<!tpu.dma_semaphore, #tpu.memory_space<semaphore_mem>>)
      %mul3A_808 = arith.constant 800 : i32
      %mul3A_809 = arith.muli %scan3A_597, %mul3A_808 : i32
      %add3A_810 = arith.constant 160 : i32
      %add3A_811 = arith.addi %mul3A_809, %add3A_810 : i32
      %dma_start3A_812 = arith.constant 160 : i32
      %dma_start3A_813 = arith.constant 0 : i32
      %dma_start3A_814 = tpu.memref_slice %arg6[%rem3A_598, %dma_start3A_812, %dma_start3A_813] : memref<2x800x64xf32, #tpu.memory_space<vmem>> -> memref<1x80x64xf32, #tpu.memory_space<vmem>>
      %dma_start3A_815 = tpu.memref_squeeze %dma_start3A_814 : memref<1x80x64xf32, #tpu.memory_space<vmem>> -> memref<80x64xf32, #tpu.memory_space<vmem>>
      %dma_start3A_816 = tpu.memref_slice %arg5[%add3A_811] : memref<25600xi32, #tpu.memory_space<vmem>> -> memref<80xi32, #tpu.memory_space<vmem>>
      %dma_start3A_817 = arith.constant 0 : i32
      %dma_start3A_818 = arith.constant 0 : i32
      %dma_start3A_819 = tpu.memref_slice %arg3[%dma_start3A_817, %dma_start3A_818] : memref<1000000x64xf32, #tpu.memory_space<hbm>> -> memref<1000000x64xf32, #tpu.memory_space<hbm>>
      %dma_start3A_820 = tpu.memref_slice %arg7[%rem3A_598] : memref<2x!tpu.dma_semaphore, #tpu.memory_space<semaphore_mem>> -> memref<1x!tpu.dma_semaphore, #tpu.memory_space<semaphore_mem>>
      %dma_start3A_821 = tpu.memref_squeeze %dma_start3A_820 : memref<1x!tpu.dma_semaphore, #tpu.memory_space<semaphore_mem>> -> memref<!tpu.dma_semaphore, #tpu.memory_space<semaphore_mem>>
      tpu.enqueue_indirect_dma source(%dma_start3A_819 : memref<1000000x64xf32, #tpu.memory_space<hbm>>) target(%dma_start3A_815 : memref<80x64xf32, #tpu.memory_space<vmem>>) offsets(%dma_start3A_816 : memref<80xi32, #tpu.memory_space<vmem>>) semaphore(%dma_start3A_821 : memref<!tpu.dma_semaphore, #tpu.memory_space<semaphore_mem>>)
      %mul3A_822 = arith.constant 800 : i32
      %mul3A_823 = arith.muli %scan3A_597, %mul3A_822 : i32
      %add3A_824 = arith.constant 240 : i32
      %add3A_825 = arith.addi %mul3A_823, %add3A_824 : i32
      %dma_start3A_826 = arith.constant 240 : i32
      %dma_start3A_827 = arith.constant 0 : i32
      %dma_start3A_828 = tpu.memref_slice %arg6[%rem3A_598, %dma_start3A_826, %dma_start3A_827] : memref<2x800x64xf32, #tpu.memory_space<vmem>> -> memref<1x80x64xf32, #tpu.memory_space<vmem>>
      %dma_start3A_829 = tpu.memref_squeeze %dma_start3A_828 : memref<1x80x64xf32, #tpu.memory_space<vmem>> -> memref<80x64xf32, #tpu.memory_space<vmem>>
      %dma_start3A_830 = tpu.memref_slice %arg5[%add3A_825] : memref<25600xi32, #tpu.memory_space<vmem>> -> memref<80xi32, #tpu.memory_space<vmem>>
      %dma_start3A_831 = arith.constant 0 : i32
      %dma_start3A_832 = arith.constant 0 : i32
      %dma_start3A_833 = tpu.memref_slice %arg3[%dma_start3A_831, %dma_start3A_832] : memref<1000000x64xf32, #tpu.memory_space<hbm>> -> memref<1000000x64xf32, #tpu.memory_space<hbm>>
      %dma_start3A_834 = tpu.memref_slice %arg7[%rem3A_598] : memref<2x!tpu.dma_semaphore, #tpu.memory_space<semaphore_mem>> -> memref<1x!tpu.dma_semaphore, #tpu.memory_space<semaphore_mem>>
      %dma_start3A_835 = tpu.memref_squeeze %dma_start3A_834 : memref<1x!tpu.dma_semaphore, #tpu.memory_space<semaphore_mem>> -> memref<!tpu.dma_semaphore, #tpu.memory_space<semaphore_mem>>
      tpu.enqueue_indirect_dma source(%dma_start3A_833 : memref<1000000x64xf32, #tpu.memory_space<hbm>>) target(%dma_start3A_829 : memref<80x64xf32, #tpu.memory_space<vmem>>) offsets(%dma_start3A_830 : memref<80xi32, #tpu.memory_space<vmem>>) semaphore(%dma_start3A_835 : memref<!tpu.dma_semaphore, #tpu.memory_space<semaphore_mem>>)
      %mul3A_836 = arith.constant 800 : i32
      %mul3A_837 = arith.muli %scan3A_597, %mul3A_836 : i32
      %add3A_838 = arith.constant 320 : i32
      %add3A_839 = arith.addi %mul3A_837, %add3A_838 : i32
      %dma_start3A_840 = arith.constant 320 : i32
      %dma_start3A_841 = arith.constant 0 : i32
      %dma_start3A_842 = tpu.memref_slice %arg6[%rem3A_598, %dma_start3A_840, %dma_start3A_841] : memref<2x800x64xf32, #tpu.memory_space<vmem>> -> memref<1x80x64xf32, #tpu.memory_space<vmem>>
      %dma_start3A_843 = tpu.memref_squeeze %dma_start3A_842 : memref<1x80x64xf32, #tpu.memory_space<vmem>> -> memref<80x64xf32, #tpu.memory_space<vmem>>
      %dma_start3A_844 = tpu.memref_slice %arg5[%add3A_839] : memref<25600xi32, #tpu.memory_space<vmem>> -> memref<80xi32, #tpu.memory_space<vmem>>
      %dma_start3A_845 = arith.constant 0 : i32
      %dma_start3A_846 = arith.constant 0 : i32
      %dma_start3A_847 = tpu.memref_slice %arg3[%dma_start3A_845, %dma_start3A_846] : memref<1000000x64xf32, #tpu.memory_space<hbm>> -> memref<1000000x64xf32, #tpu.memory_space<hbm>>
      %dma_start3A_848 = tpu.memref_slice %arg7[%rem3A_598] : memref<2x!tpu.dma_semaphore, #tpu.memory_space<semaphore_mem>> -> memref<1x!tpu.dma_semaphore, #tpu.memory_space<semaphore_mem>>
      %dma_start3A_849 = tpu.memref_squeeze %dma_start3A_848 : memref<1x!tpu.dma_semaphore, #tpu.memory_space<semaphore_mem>> -> memref<!tpu.dma_semaphore, #tpu.memory_space<semaphore_mem>>
      tpu.enqueue_indirect_dma source(%dma_start3A_847 : memref<1000000x64xf32, #tpu.memory_space<hbm>>) target(%dma_start3A_843 : memref<80x64xf32, #tpu.memory_space<vmem>>) offsets(%dma_start3A_844 : memref<80xi32, #tpu.memory_space<vmem>>) semaphore(%dma_start3A_849 : memref<!tpu.dma_semaphore, #tpu.memory_space<semaphore_mem>>)
      %mul3A_850 = arith.constant 800 : i32
      %mul3A_851 = arith.muli %scan3A_597, %mul3A_850 : i32
      %add3A_852 = arith.constant 400 : i32
      %add3A_853 = arith.addi %mul3A_851, %add3A_852 : i32
      %dma_start3A_854 = arith.constant 400 : i32
      %dma_start3A_855 = arith.constant 0 : i32
      %dma_start3A_856 = tpu.memref_slice %arg6[%rem3A_598, %dma_start3A_854, %dma_start3A_855] : memref<2x800x64xf32, #tpu.memory_space<vmem>> -> memref<1x80x64xf32, #tpu.memory_space<vmem>>
      %dma_start3A_857 = tpu.memref_squeeze %dma_start3A_856 : memref<1x80x64xf32, #tpu.memory_space<vmem>> -> memref<80x64xf32, #tpu.memory_space<vmem>>
      %dma_start3A_858 = tpu.memref_slice %arg5[%add3A_853] : memref<25600xi32, #tpu.memory_space<vmem>> -> memref<80xi32, #tpu.memory_space<vmem>>
      %dma_start3A_859 = arith.constant 0 : i32
      %dma_start3A_860 = arith.constant 0 : i32
      %dma_start3A_861 = tpu.memref_slice %arg3[%dma_start3A_859, %dma_start3A_860] : memref<1000000x64xf32, #tpu.memory_space<hbm>> -> memref<1000000x64xf32, #tpu.memory_space<hbm>>
      %dma_start3A_862 = tpu.memref_slice %arg7[%rem3A_598] : memref<2x!tpu.dma_semaphore, #tpu.memory_space<semaphore_mem>> -> memref<1x!tpu.dma_semaphore, #tpu.memory_space<semaphore_mem>>
      %dma_start3A_863 = tpu.memref_squeeze %dma_start3A_862 : memref<1x!tpu.dma_semaphore, #tpu.memory_space<semaphore_mem>> -> memref<!tpu.dma_semaphore, #tpu.memory_space<semaphore_mem>>
      tpu.enqueue_indirect_dma source(%dma_start3A_861 : memref<1000000x64xf32, #tpu.memory_space<hbm>>) target(%dma_start3A_857 : memref<80x64xf32, #tpu.memory_space<vmem>>) offsets(%dma_start3A_858 : memref<80xi32, #tpu.memory_space<vmem>>) semaphore(%dma_start3A_863 : memref<!tpu.dma_semaphore, #tpu.memory_space<semaphore_mem>>)
      %mul3A_864 = arith.constant 800 : i32
      %mul3A_865 = arith.muli %scan3A_597, %mul3A_864 : i32
      %add3A_866 = arith.constant 480 : i32
      %add3A_867 = arith.addi %mul3A_865, %add3A_866 : i32
      %dma_start3A_868 = arith.constant 480 : i32
      %dma_start3A_869 = arith.constant 0 : i32
      %dma_start3A_870 = tpu.memref_slice %arg6[%rem3A_598, %dma_start3A_868, %dma_start3A_869] : memref<2x800x64xf32, #tpu.memory_space<vmem>> -> memref<1x80x64xf32, #tpu.memory_space<vmem>>
      %dma_start3A_871 = tpu.memref_squeeze %dma_start3A_870 : memref<1x80x64xf32, #tpu.memory_space<vmem>> -> memref<80x64xf32, #tpu.memory_space<vmem>>
      %dma_start3A_872 = tpu.memref_slice %arg5[%add3A_867] : memref<25600xi32, #tpu.memory_space<vmem>> -> memref<80xi32, #tpu.memory_space<vmem>>
      %dma_start3A_873 = arith.constant 0 : i32
      %dma_start3A_874 = arith.constant 0 : i32
      %dma_start3A_875 = tpu.memref_slice %arg3[%dma_start3A_873, %dma_start3A_874] : memref<1000000x64xf32, #tpu.memory_space<hbm>> -> memref<1000000x64xf32, #tpu.memory_space<hbm>>
      %dma_start3A_876 = tpu.memref_slice %arg7[%rem3A_598] : memref<2x!tpu.dma_semaphore, #tpu.memory_space<semaphore_mem>> -> memref<1x!tpu.dma_semaphore, #tpu.memory_space<semaphore_mem>>
      %dma_start3A_877 = tpu.memref_squeeze %dma_start3A_876 : memref<1x!tpu.dma_semaphore, #tpu.memory_space<semaphore_mem>> -> memref<!tpu.dma_semaphore, #tpu.memory_space<semaphore_mem>>
      tpu.enqueue_indirect_dma source(%dma_start3A_875 : memref<1000000x64xf32, #tpu.memory_space<hbm>>) target(%dma_start3A_871 : memref<80x64xf32, #tpu.memory_space<vmem>>) offsets(%dma_start3A_872 : memref<80xi32, #tpu.memory_space<vmem>>) semaphore(%dma_start3A_877 : memref<!tpu.dma_semaphore, #tpu.memory_space<semaphore_mem>>)
      %mul3A_878 = arith.constant 800 : i32
      %mul3A_879 = arith.muli %scan3A_597, %mul3A_878 : i32
      %add3A_880 = arith.constant 560 : i32
      %add3A_881 = arith.addi %mul3A_879, %add3A_880 : i32
      %dma_start3A_882 = arith.constant 560 : i32
      %dma_start3A_883 = arith.constant 0 : i32
      %dma_start3A_884 = tpu.memref_slice %arg6[%rem3A_598, %dma_start3A_882, %dma_start3A_883] : memref<2x800x64xf32, #tpu.memory_space<vmem>> -> memref<1x80x64xf32, #tpu.memory_space<vmem>>
      %dma_start3A_885 = tpu.memref_squeeze %dma_start3A_884 : memref<1x80x64xf32, #tpu.memory_space<vmem>> -> memref<80x64xf32, #tpu.memory_space<vmem>>
      %dma_start3A_886 = tpu.memref_slice %arg5[%add3A_881] : memref<25600xi32, #tpu.memory_space<vmem>> -> memref<80xi32, #tpu.memory_space<vmem>>
      %dma_start3A_887 = arith.constant 0 : i32
      %dma_start3A_888 = arith.constant 0 : i32
      %dma_start3A_889 = tpu.memref_slice %arg3[%dma_start3A_887, %dma_start3A_888] : memref<1000000x64xf32, #tpu.memory_space<hbm>> -> memref<1000000x64xf32, #tpu.memory_space<hbm>>
      %dma_start3A_890 = tpu.memref_slice %arg7[%rem3A_598] : memref<2x!tpu.dma_semaphore, #tpu.memory_space<semaphore_mem>> -> memref<1x!tpu.dma_semaphore, #tpu.memory_space<semaphore_mem>>
      %dma_start3A_891 = tpu.memref_squeeze %dma_start3A_890 : memref<1x!tpu.dma_semaphore, #tpu.memory_space<semaphore_mem>> -> memref<!tpu.dma_semaphore, #tpu.memory_space<semaphore_mem>>
      tpu.enqueue_indirect_dma source(%dma_start3A_889 : memref<1000000x64xf32, #tpu.memory_space<hbm>>) target(%dma_start3A_885 : memref<80x64xf32, #tpu.memory_space<vmem>>) offsets(%dma_start3A_886 : memref<80xi32, #tpu.memory_space<vmem>>) semaphore(%dma_start3A_891 : memref<!tpu.dma_semaphore, #tpu.memory_space<semaphore_mem>>)
      %mul3A_892 = arith.constant 800 : i32
      %mul3A_893 = arith.muli %scan3A_597, %mul3A_892 : i32
      %add3A_894 = arith.constant 640 : i32
      %add3A_895 = arith.addi %mul3A_893, %add3A_894 : i32
      %dma_start3A_896 = arith.constant 640 : i32
      %dma_start3A_897 = arith.constant 0 : i32
      %dma_start3A_898 = tpu.memref_slice %arg6[%rem3A_598, %dma_start3A_896, %dma_start3A_897] : memref<2x800x64xf32, #tpu.memory_space<vmem>> -> memref<1x80x64xf32, #tpu.memory_space<vmem>>
      %dma_start3A_899 = tpu.memref_squeeze %dma_start3A_898 : memref<1x80x64xf32, #tpu.memory_space<vmem>> -> memref<80x64xf32, #tpu.memory_space<vmem>>
      %dma_start3A_900 = tpu.memref_slice %arg5[%add3A_895] : memref<25600xi32, #tpu.memory_space<vmem>> -> memref<80xi32, #tpu.memory_space<vmem>>
      %dma_start3A_901 = arith.constant 0 : i32
      %dma_start3A_902 = arith.constant 0 : i32
      %dma_start3A_903 = tpu.memref_slice %arg3[%dma_start3A_901, %dma_start3A_902] : memref<1000000x64xf32, #tpu.memory_space<hbm>> -> memref<1000000x64xf32, #tpu.memory_space<hbm>>
      %dma_start3A_904 = tpu.memref_slice %arg7[%rem3A_598] : memref<2x!tpu.dma_semaphore, #tpu.memory_space<semaphore_mem>> -> memref<1x!tpu.dma_semaphore, #tpu.memory_space<semaphore_mem>>
      %dma_start3A_905 = tpu.memref_squeeze %dma_start3A_904 : memref<1x!tpu.dma_semaphore, #tpu.memory_space<semaphore_mem>> -> memref<!tpu.dma_semaphore, #tpu.memory_space<semaphore_mem>>
      tpu.enqueue_indirect_dma source(%dma_start3A_903 : memref<1000000x64xf32, #tpu.memory_space<hbm>>) target(%dma_start3A_899 : memref<80x64xf32, #tpu.memory_space<vmem>>) offsets(%dma_start3A_900 : memref<80xi32, #tpu.memory_space<vmem>>) semaphore(%dma_start3A_905 : memref<!tpu.dma_semaphore, #tpu.memory_space<semaphore_mem>>)
      %mul3A_906 = arith.constant 800 : i32
      %mul3A_907 = arith.muli %scan3A_597, %mul3A_906 : i32
      %add3A_908 = arith.constant 720 : i32
      %add3A_909 = arith.addi %mul3A_907, %add3A_908 : i32
      %dma_start3A_910 = arith.constant 720 : i32
      %dma_start3A_911 = arith.constant 0 : i32
      %dma_start3A_912 = tpu.memref_slice %arg6[%rem3A_598, %dma_start3A_910, %dma_start3A_911] : memref<2x800x64xf32, #tpu.memory_space<vmem>> -> memref<1x80x64xf32, #tpu.memory_space<vmem>>
      %dma_start3A_913 = tpu.memref_squeeze %dma_start3A_912 : memref<1x80x64xf32, #tpu.memory_space<vmem>> -> memref<80x64xf32, #tpu.memory_space<vmem>>
      %dma_start3A_914 = tpu.memref_slice %arg5[%add3A_909] : memref<25600xi32, #tpu.memory_space<vmem>> -> memref<80xi32, #tpu.memory_space<vmem>>
      %dma_start3A_915 = arith.constant 0 : i32
      %dma_start3A_916 = arith.constant 0 : i32
      %dma_start3A_917 = tpu.memref_slice %arg3[%dma_start3A_915, %dma_start3A_916] : memref<1000000x64xf32, #tpu.memory_space<hbm>> -> memref<1000000x64xf32, #tpu.memory_space<hbm>>
      %dma_start3A_918 = tpu.memref_slice %arg7[%rem3A_598] : memref<2x!tpu.dma_semaphore, #tpu.memory_space<semaphore_mem>> -> memref<1x!tpu.dma_semaphore, #tpu.memory_space<semaphore_mem>>
      %dma_start3A_919 = tpu.memref_squeeze %dma_start3A_918 : memref<1x!tpu.dma_semaphore, #tpu.memory_space<semaphore_mem>> -> memref<!tpu.dma_semaphore, #tpu.memory_space<semaphore_mem>>
      tpu.enqueue_indirect_dma source(%dma_start3A_917 : memref<1000000x64xf32, #tpu.memory_space<hbm>>) target(%dma_start3A_913 : memref<80x64xf32, #tpu.memory_space<vmem>>) offsets(%dma_start3A_914 : memref<80xi32, #tpu.memory_space<vmem>>) semaphore(%dma_start3A_919 : memref<!tpu.dma_semaphore, #tpu.memory_space<semaphore_mem>>)
    }
    %scan3A_412 = arith.constant 30 : i32
    %dma_wait3A_413 = arith.constant 1 : i32
    %dma_wait3A_414 = arith.constant 1 : i32
    %dma_wait3A_415 = arith.constant 0 : i32
    %dma_wait3A_416 = arith.constant 0 : i32
    %dma_wait3A_417 = tpu.memref_slice %arg6[%dma_wait3A_413, %dma_wait3A_415, %dma_wait3A_416] : memref<2x800x64xf32, #tpu.memory_space<vmem>> -> memref<1x80x64xf32, #tpu.memory_space<vmem>>
    %dma_wait3A_418 = tpu.memref_squeeze %dma_wait3A_417 : memref<1x80x64xf32, #tpu.memory_space<vmem>> -> memref<80x64xf32, #tpu.memory_space<vmem>>
    %dma_wait3A_419 = arith.constant 24800 : i32
    %dma_wait3A_420 = tpu.memref_slice %arg5[%dma_wait3A_419] : memref<25600xi32, #tpu.memory_space<vmem>> -> memref<80xi32, #tpu.memory_space<vmem>>
    %dma_wait3A_421 = arith.constant 0 : i32
    %dma_wait3A_422 = arith.constant 0 : i32
    %dma_wait3A_423 = tpu.memref_slice %arg3[%dma_wait3A_421, %dma_wait3A_422] : memref<1000000x64xf32, #tpu.memory_space<hbm>> -> memref<1000000x64xf32, #tpu.memory_space<hbm>>
    %dma_wait3A_424 = tpu.memref_slice %arg7[%dma_wait3A_414] : memref<2x!tpu.dma_semaphore, #tpu.memory_space<semaphore_mem>> -> memref<1x!tpu.dma_semaphore, #tpu.memory_space<semaphore_mem>>
    %dma_wait3A_425 = tpu.memref_squeeze %dma_wait3A_424 : memref<1x!tpu.dma_semaphore, #tpu.memory_space<semaphore_mem>> -> memref<!tpu.dma_semaphore, #tpu.memory_space<semaphore_mem>>
    tpu.wait_indirect_dma semaphore(%dma_wait3A_425 : memref<!tpu.dma_semaphore, #tpu.memory_space<semaphore_mem>>) src(%dma_wait3A_423 : memref<1000000x64xf32, #tpu.memory_space<hbm>>) dst(%dma_wait3A_418 : memref<80x64xf32, #tpu.memory_space<vmem>>)
    %dma_wait3A_426 = arith.constant 1 : i32
    %dma_wait3A_427 = arith.constant 1 : i32
    %dma_wait3A_428 = arith.constant 80 : i32
    %dma_wait3A_429 = arith.constant 0 : i32
    %dma_wait3A_430 = tpu.memref_slice %arg6[%dma_wait3A_426, %dma_wait3A_428, %dma_wait3A_429] : memref<2x800x64xf32, #tpu.memory_space<vmem>> -> memref<1x80x64xf32, #tpu.memory_space<vmem>>
    %dma_wait3A_431 = tpu.memref_squeeze %dma_wait3A_430 : memref<1x80x64xf32, #tpu.memory_space<vmem>> -> memref<80x64xf32, #tpu.memory_space<vmem>>
    %dma_wait3A_432 = arith.constant 24880 : i32
    %dma_wait3A_433 = tpu.memref_slice %arg5[%dma_wait3A_432] : memref<25600xi32, #tpu.memory_space<vmem>> -> memref<80xi32, #tpu.memory_space<vmem>>
    %dma_wait3A_434 = arith.constant 0 : i32
    %dma_wait3A_435 = arith.constant 0 : i32
    %dma_wait3A_436 = tpu.memref_slice %arg3[%dma_wait3A_434, %dma_wait3A_435] : memref<1000000x64xf32, #tpu.memory_space<hbm>> -> memref<1000000x64xf32, #tpu.memory_space<hbm>>
    %dma_wait3A_437 = tpu.memref_slice %arg7[%dma_wait3A_427] : memref<2x!tpu.dma_semaphore, #tpu.memory_space<semaphore_mem>> -> memref<1x!tpu.dma_semaphore, #tpu.memory_space<semaphore_mem>>
    %dma_wait3A_438 = tpu.memref_squeeze %dma_wait3A_437 : memref<1x!tpu.dma_semaphore, #tpu.memory_space<semaphore_mem>> -> memref<!tpu.dma_semaphore, #tpu.memory_space<semaphore_mem>>
    tpu.wait_indirect_dma semaphore(%dma_wait3A_438 : memref<!tpu.dma_semaphore, #tpu.memory_space<semaphore_mem>>) src(%dma_wait3A_436 : memref<1000000x64xf32, #tpu.memory_space<hbm>>) dst(%dma_wait3A_431 : memref<80x64xf32, #tpu.memory_space<vmem>>)
    %dma_wait3A_439 = arith.constant 1 : i32
    %dma_wait3A_440 = arith.constant 1 : i32
    %dma_wait3A_441 = arith.constant 160 : i32
    %dma_wait3A_442 = arith.constant 0 : i32
    %dma_wait3A_443 = tpu.memref_slice %arg6[%dma_wait3A_439, %dma_wait3A_441, %dma_wait3A_442] : memref<2x800x64xf32, #tpu.memory_space<vmem>> -> memref<1x80x64xf32, #tpu.memory_space<vmem>>
    %dma_wait3A_444 = tpu.memref_squeeze %dma_wait3A_443 : memref<1x80x64xf32, #tpu.memory_space<vmem>> -> memref<80x64xf32, #tpu.memory_space<vmem>>
    %dma_wait3A_445 = arith.constant 24960 : i32
    %dma_wait3A_446 = tpu.memref_slice %arg5[%dma_wait3A_445] : memref<25600xi32, #tpu.memory_space<vmem>> -> memref<80xi32, #tpu.memory_space<vmem>>
    %dma_wait3A_447 = arith.constant 0 : i32
    %dma_wait3A_448 = arith.constant 0 : i32
    %dma_wait3A_449 = tpu.memref_slice %arg3[%dma_wait3A_447, %dma_wait3A_448] : memref<1000000x64xf32, #tpu.memory_space<hbm>> -> memref<1000000x64xf32, #tpu.memory_space<hbm>>
    %dma_wait3A_450 = tpu.memref_slice %arg7[%dma_wait3A_440] : memref<2x!tpu.dma_semaphore, #tpu.memory_space<semaphore_mem>> -> memref<1x!tpu.dma_semaphore, #tpu.memory_space<semaphore_mem>>
    %dma_wait3A_451 = tpu.memref_squeeze %dma_wait3A_450 : memref<1x!tpu.dma_semaphore, #tpu.memory_space<semaphore_mem>> -> memref<!tpu.dma_semaphore, #tpu.memory_space<semaphore_mem>>
    tpu.wait_indirect_dma semaphore(%dma_wait3A_451 : memref<!tpu.dma_semaphore, #tpu.memory_space<semaphore_mem>>) src(%dma_wait3A_449 : memref<1000000x64xf32, #tpu.memory_space<hbm>>) dst(%dma_wait3A_444 : memref<80x64xf32, #tpu.memory_space<vmem>>)
    %dma_wait3A_452 = arith.constant 1 : i32
    %dma_wait3A_453 = arith.constant 1 : i32
    %dma_wait3A_454 = arith.constant 240 : i32
    %dma_wait3A_455 = arith.constant 0 : i32
    %dma_wait3A_456 = tpu.memref_slice %arg6[%dma_wait3A_452, %dma_wait3A_454, %dma_wait3A_455] : memref<2x800x64xf32, #tpu.memory_space<vmem>> -> memref<1x80x64xf32, #tpu.memory_space<vmem>>
    %dma_wait3A_457 = tpu.memref_squeeze %dma_wait3A_456 : memref<1x80x64xf32, #tpu.memory_space<vmem>> -> memref<80x64xf32, #tpu.memory_space<vmem>>
    %dma_wait3A_458 = arith.constant 25040 : i32
    %dma_wait3A_459 = tpu.memref_slice %arg5[%dma_wait3A_458] : memref<25600xi32, #tpu.memory_space<vmem>> -> memref<80xi32, #tpu.memory_space<vmem>>
    %dma_wait3A_460 = arith.constant 0 : i32
    %dma_wait3A_461 = arith.constant 0 : i32
    %dma_wait3A_462 = tpu.memref_slice %arg3[%dma_wait3A_460, %dma_wait3A_461] : memref<1000000x64xf32, #tpu.memory_space<hbm>> -> memref<1000000x64xf32, #tpu.memory_space<hbm>>
    %dma_wait3A_463 = tpu.memref_slice %arg7[%dma_wait3A_453] : memref<2x!tpu.dma_semaphore, #tpu.memory_space<semaphore_mem>> -> memref<1x!tpu.dma_semaphore, #tpu.memory_space<semaphore_mem>>
    %dma_wait3A_464 = tpu.memref_squeeze %dma_wait3A_463 : memref<1x!tpu.dma_semaphore, #tpu.memory_space<semaphore_mem>> -> memref<!tpu.dma_semaphore, #tpu.memory_space<semaphore_mem>>
    tpu.wait_indirect_dma semaphore(%dma_wait3A_464 : memref<!tpu.dma_semaphore, #tpu.memory_space<semaphore_mem>>) src(%dma_wait3A_462 : memref<1000000x64xf32, #tpu.memory_space<hbm>>) dst(%dma_wait3A_457 : memref<80x64xf32, #tpu.memory_space<vmem>>)
    %dma_wait3A_465 = arith.constant 1 : i32
    %dma_wait3A_466 = arith.constant 1 : i32
    %dma_wait3A_467 = arith.constant 320 : i32
    %dma_wait3A_468 = arith.constant 0 : i32
    %dma_wait3A_469 = tpu.memref_slice %arg6[%dma_wait3A_465, %dma_wait3A_467, %dma_wait3A_468] : memref<2x800x64xf32, #tpu.memory_space<vmem>> -> memref<1x80x64xf32, #tpu.memory_space<vmem>>
    %dma_wait3A_470 = tpu.memref_squeeze %dma_wait3A_469 : memref<1x80x64xf32, #tpu.memory_space<vmem>> -> memref<80x64xf32, #tpu.memory_space<vmem>>
    %dma_wait3A_471 = arith.constant 25120 : i32
    %dma_wait3A_472 = tpu.memref_slice %arg5[%dma_wait3A_471] : memref<25600xi32, #tpu.memory_space<vmem>> -> memref<80xi32, #tpu.memory_space<vmem>>
    %dma_wait3A_473 = arith.constant 0 : i32
    %dma_wait3A_474 = arith.constant 0 : i32
    %dma_wait3A_475 = tpu.memref_slice %arg3[%dma_wait3A_473, %dma_wait3A_474] : memref<1000000x64xf32, #tpu.memory_space<hbm>> -> memref<1000000x64xf32, #tpu.memory_space<hbm>>
    %dma_wait3A_476 = tpu.memref_slice %arg7[%dma_wait3A_466] : memref<2x!tpu.dma_semaphore, #tpu.memory_space<semaphore_mem>> -> memref<1x!tpu.dma_semaphore, #tpu.memory_space<semaphore_mem>>
    %dma_wait3A_477 = tpu.memref_squeeze %dma_wait3A_476 : memref<1x!tpu.dma_semaphore, #tpu.memory_space<semaphore_mem>> -> memref<!tpu.dma_semaphore, #tpu.memory_space<semaphore_mem>>
    tpu.wait_indirect_dma semaphore(%dma_wait3A_477 : memref<!tpu.dma_semaphore, #tpu.memory_space<semaphore_mem>>) src(%dma_wait3A_475 : memref<1000000x64xf32, #tpu.memory_space<hbm>>) dst(%dma_wait3A_470 : memref<80x64xf32, #tpu.memory_space<vmem>>)
    %dma_wait3A_478 = arith.constant 1 : i32
    %dma_wait3A_479 = arith.constant 1 : i32
    %dma_wait3A_480 = arith.constant 400 : i32
    %dma_wait3A_481 = arith.constant 0 : i32
    %dma_wait3A_482 = tpu.memref_slice %arg6[%dma_wait3A_478, %dma_wait3A_480, %dma_wait3A_481] : memref<2x800x64xf32, #tpu.memory_space<vmem>> -> memref<1x80x64xf32, #tpu.memory_space<vmem>>
    %dma_wait3A_483 = tpu.memref_squeeze %dma_wait3A_482 : memref<1x80x64xf32, #tpu.memory_space<vmem>> -> memref<80x64xf32, #tpu.memory_space<vmem>>
    %dma_wait3A_484 = arith.constant 25200 : i32
    %dma_wait3A_485 = tpu.memref_slice %arg5[%dma_wait3A_484] : memref<25600xi32, #tpu.memory_space<vmem>> -> memref<80xi32, #tpu.memory_space<vmem>>
    %dma_wait3A_486 = arith.constant 0 : i32
    %dma_wait3A_487 = arith.constant 0 : i32
    %dma_wait3A_488 = tpu.memref_slice %arg3[%dma_wait3A_486, %dma_wait3A_487] : memref<1000000x64xf32, #tpu.memory_space<hbm>> -> memref<1000000x64xf32, #tpu.memory_space<hbm>>
    %dma_wait3A_489 = tpu.memref_slice %arg7[%dma_wait3A_479] : memref<2x!tpu.dma_semaphore, #tpu.memory_space<semaphore_mem>> -> memref<1x!tpu.dma_semaphore, #tpu.memory_space<semaphore_mem>>
    %dma_wait3A_490 = tpu.memref_squeeze %dma_wait3A_489 : memref<1x!tpu.dma_semaphore, #tpu.memory_space<semaphore_mem>> -> memref<!tpu.dma_semaphore, #tpu.memory_space<semaphore_mem>>
    tpu.wait_indirect_dma semaphore(%dma_wait3A_490 : memref<!tpu.dma_semaphore, #tpu.memory_space<semaphore_mem>>) src(%dma_wait3A_488 : memref<1000000x64xf32, #tpu.memory_space<hbm>>) dst(%dma_wait3A_483 : memref<80x64xf32, #tpu.memory_space<vmem>>)
    %dma_wait3A_491 = arith.constant 1 : i32
    %dma_wait3A_492 = arith.constant 1 : i32
    %dma_wait3A_493 = arith.constant 480 : i32
    %dma_wait3A_494 = arith.constant 0 : i32
    %dma_wait3A_495 = tpu.memref_slice %arg6[%dma_wait3A_491, %dma_wait3A_493, %dma_wait3A_494] : memref<2x800x64xf32, #tpu.memory_space<vmem>> -> memref<1x80x64xf32, #tpu.memory_space<vmem>>
    %dma_wait3A_496 = tpu.memref_squeeze %dma_wait3A_495 : memref<1x80x64xf32, #tpu.memory_space<vmem>> -> memref<80x64xf32, #tpu.memory_space<vmem>>
    %dma_wait3A_497 = arith.constant 25280 : i32
    %dma_wait3A_498 = tpu.memref_slice %arg5[%dma_wait3A_497] : memref<25600xi32, #tpu.memory_space<vmem>> -> memref<80xi32, #tpu.memory_space<vmem>>
    %dma_wait3A_499 = arith.constant 0 : i32
    %dma_wait3A_500 = arith.constant 0 : i32
    %dma_wait3A_501 = tpu.memref_slice %arg3[%dma_wait3A_499, %dma_wait3A_500] : memref<1000000x64xf32, #tpu.memory_space<hbm>> -> memref<1000000x64xf32, #tpu.memory_space<hbm>>
    %dma_wait3A_502 = tpu.memref_slice %arg7[%dma_wait3A_492] : memref<2x!tpu.dma_semaphore, #tpu.memory_space<semaphore_mem>> -> memref<1x!tpu.dma_semaphore, #tpu.memory_space<semaphore_mem>>
    %dma_wait3A_503 = tpu.memref_squeeze %dma_wait3A_502 : memref<1x!tpu.dma_semaphore, #tpu.memory_space<semaphore_mem>> -> memref<!tpu.dma_semaphore, #tpu.memory_space<semaphore_mem>>
    tpu.wait_indirect_dma semaphore(%dma_wait3A_503 : memref<!tpu.dma_semaphore, #tpu.memory_space<semaphore_mem>>) src(%dma_wait3A_501 : memref<1000000x64xf32, #tpu.memory_space<hbm>>) dst(%dma_wait3A_496 : memref<80x64xf32, #tpu.memory_space<vmem>>)
    %dma_wait3A_504 = arith.constant 1 : i32
    %dma_wait3A_505 = arith.constant 1 : i32
    %dma_wait3A_506 = arith.constant 560 : i32
    %dma_wait3A_507 = arith.constant 0 : i32
    %dma_wait3A_508 = tpu.memref_slice %arg6[%dma_wait3A_504, %dma_wait3A_506, %dma_wait3A_507] : memref<2x800x64xf32, #tpu.memory_space<vmem>> -> memref<1x80x64xf32, #tpu.memory_space<vmem>>
    %dma_wait3A_509 = tpu.memref_squeeze %dma_wait3A_508 : memref<1x80x64xf32, #tpu.memory_space<vmem>> -> memref<80x64xf32, #tpu.memory_space<vmem>>
    %dma_wait3A_510 = arith.constant 25360 : i32
    %dma_wait3A_511 = tpu.memref_slice %arg5[%dma_wait3A_510] : memref<25600xi32, #tpu.memory_space<vmem>> -> memref<80xi32, #tpu.memory_space<vmem>>
    %dma_wait3A_512 = arith.constant 0 : i32
    %dma_wait3A_513 = arith.constant 0 : i32
    %dma_wait3A_514 = tpu.memref_slice %arg3[%dma_wait3A_512, %dma_wait3A_513] : memref<1000000x64xf32, #tpu.memory_space<hbm>> -> memref<1000000x64xf32, #tpu.memory_space<hbm>>
    %dma_wait3A_515 = tpu.memref_slice %arg7[%dma_wait3A_505] : memref<2x!tpu.dma_semaphore, #tpu.memory_space<semaphore_mem>> -> memref<1x!tpu.dma_semaphore, #tpu.memory_space<semaphore_mem>>
    %dma_wait3A_516 = tpu.memref_squeeze %dma_wait3A_515 : memref<1x!tpu.dma_semaphore, #tpu.memory_space<semaphore_mem>> -> memref<!tpu.dma_semaphore, #tpu.memory_space<semaphore_mem>>
    tpu.wait_indirect_dma semaphore(%dma_wait3A_516 : memref<!tpu.dma_semaphore, #tpu.memory_space<semaphore_mem>>) src(%dma_wait3A_514 : memref<1000000x64xf32, #tpu.memory_space<hbm>>) dst(%dma_wait3A_509 : memref<80x64xf32, #tpu.memory_space<vmem>>)
    %dma_wait3A_517 = arith.constant 1 : i32
    %dma_wait3A_518 = arith.constant 1 : i32
    %dma_wait3A_519 = arith.constant 640 : i32
    %dma_wait3A_520 = arith.constant 0 : i32
    %dma_wait3A_521 = tpu.memref_slice %arg6[%dma_wait3A_517, %dma_wait3A_519, %dma_wait3A_520] : memref<2x800x64xf32, #tpu.memory_space<vmem>> -> memref<1x80x64xf32, #tpu.memory_space<vmem>>
    %dma_wait3A_522 = tpu.memref_squeeze %dma_wait3A_521 : memref<1x80x64xf32, #tpu.memory_space<vmem>> -> memref<80x64xf32, #tpu.memory_space<vmem>>
    %dma_wait3A_523 = arith.constant 25440 : i32
    %dma_wait3A_524 = tpu.memref_slice %arg5[%dma_wait3A_523] : memref<25600xi32, #tpu.memory_space<vmem>> -> memref<80xi32, #tpu.memory_space<vmem>>
    %dma_wait3A_525 = arith.constant 0 : i32
    %dma_wait3A_526 = arith.constant 0 : i32
    %dma_wait3A_527 = tpu.memref_slice %arg3[%dma_wait3A_525, %dma_wait3A_526] : memref<1000000x64xf32, #tpu.memory_space<hbm>> -> memref<1000000x64xf32, #tpu.memory_space<hbm>>
    %dma_wait3A_528 = tpu.memref_slice %arg7[%dma_wait3A_518] : memref<2x!tpu.dma_semaphore, #tpu.memory_space<semaphore_mem>> -> memref<1x!tpu.dma_semaphore, #tpu.memory_space<semaphore_mem>>
    %dma_wait3A_529 = tpu.memref_squeeze %dma_wait3A_528 : memref<1x!tpu.dma_semaphore, #tpu.memory_space<semaphore_mem>> -> memref<!tpu.dma_semaphore, #tpu.memory_space<semaphore_mem>>
    tpu.wait_indirect_dma semaphore(%dma_wait3A_529 : memref<!tpu.dma_semaphore, #tpu.memory_space<semaphore_mem>>) src(%dma_wait3A_527 : memref<1000000x64xf32, #tpu.memory_space<hbm>>) dst(%dma_wait3A_522 : memref<80x64xf32, #tpu.memory_space<vmem>>)
    %dma_wait3A_530 = arith.constant 1 : i32
    %dma_wait3A_531 = arith.constant 1 : i32
    %dma_wait3A_532 = arith.constant 720 : i32
    %dma_wait3A_533 = arith.constant 0 : i32
    %dma_wait3A_534 = tpu.memref_slice %arg6[%dma_wait3A_530, %dma_wait3A_532, %dma_wait3A_533] : memref<2x800x64xf32, #tpu.memory_space<vmem>> -> memref<1x80x64xf32, #tpu.memory_space<vmem>>
    %dma_wait3A_535 = tpu.memref_squeeze %dma_wait3A_534 : memref<1x80x64xf32, #tpu.memory_space<vmem>> -> memref<80x64xf32, #tpu.memory_space<vmem>>
    %dma_wait3A_536 = arith.constant 25520 : i32
    %dma_wait3A_537 = tpu.memref_slice %arg5[%dma_wait3A_536] : memref<25600xi32, #tpu.memory_space<vmem>> -> memref<80xi32, #tpu.memory_space<vmem>>
    %dma_wait3A_538 = arith.constant 0 : i32
    %dma_wait3A_539 = arith.constant 0 : i32
    %dma_wait3A_540 = tpu.memref_slice %arg3[%dma_wait3A_538, %dma_wait3A_539] : memref<1000000x64xf32, #tpu.memory_space<hbm>> -> memref<1000000x64xf32, #tpu.memory_space<hbm>>
    %dma_wait3A_541 = tpu.memref_slice %arg7[%dma_wait3A_531] : memref<2x!tpu.dma_semaphore, #tpu.memory_space<semaphore_mem>> -> memref<1x!tpu.dma_semaphore, #tpu.memory_space<semaphore_mem>>
    %dma_wait3A_542 = tpu.memref_squeeze %dma_wait3A_541 : memref<1x!tpu.dma_semaphore, #tpu.memory_space<semaphore_mem>> -> memref<!tpu.dma_semaphore, #tpu.memory_space<semaphore_mem>>
    tpu.wait_indirect_dma semaphore(%dma_wait3A_542 : memref<!tpu.dma_semaphore, #tpu.memory_space<semaphore_mem>>) src(%dma_wait3A_540 : memref<1000000x64xf32, #tpu.memory_space<hbm>>) dst(%dma_wait3A_535 : memref<80x64xf32, #tpu.memory_space<vmem>>)
    %add3A_543 = arith.constant 24800 : i32
    %add3A_544 = arith.addi %mul3A_2, %add3A_543 : i32
    %dma_start3A_545 = arith.constant 1 : i32
    %dma_start3A_546 = arith.constant 1 : i32
    %dma_start3A_547 = arith.constant 0 : i32
    %dma_start3A_548 = arith.constant 0 : i32
    %dma_start3A_549 = tpu.memref_slice %arg6[%dma_start3A_545, %dma_start3A_547, %dma_start3A_548] : memref<2x800x64xf32, #tpu.memory_space<vmem>> -> memref<1x800x64xf32, #tpu.memory_space<vmem>>
    %dma_start3A_550 = tpu.memref_squeeze %dma_start3A_549 : memref<1x800x64xf32, #tpu.memory_space<vmem>> -> memref<800x64xf32, #tpu.memory_space<vmem>>
    %dma_start3A_551 = arith.constant 0 : i32
    %dma_start3A_552 = tpu.memref_slice %arg4[%add3A_544, %dma_start3A_551] : memref<819200x64xf32, #tpu.memory_space<hbm>> -> memref<800x64xf32, #tpu.memory_space<hbm>>
    %dma_start3A_553 = tpu.memref_slice %arg8[%dma_start3A_546] : memref<2x!tpu.dma_semaphore, #tpu.memory_space<semaphore_mem>> -> memref<1x!tpu.dma_semaphore, #tpu.memory_space<semaphore_mem>>
    %dma_start3A_554 = tpu.memref_squeeze %dma_start3A_553 : memref<1x!tpu.dma_semaphore, #tpu.memory_space<semaphore_mem>> -> memref<!tpu.dma_semaphore, #tpu.memory_space<semaphore_mem>>
    %dma_start3A_555 = arith.constant 0 : i32
    %dma_start3A_556 = tpu.memref_slice %arg4[%add3A_544, %dma_start3A_555] : memref<819200x64xf32, #tpu.memory_space<hbm>> -> memref<800x64xf32, #tpu.memory_space<hbm>>
    %dma_start3A_557 = arith.constant 0 : i32
    %dma_start3A_558 = arith.constant 0 : i32
    %dma_start3A_559 = tpu.memref_slice %arg6[%dma_start3A_545, %dma_start3A_557, %dma_start3A_558] : memref<2x800x64xf32, #tpu.memory_space<vmem>> -> memref<1x800x64xf32, #tpu.memory_space<vmem>>
    %dma_start3A_560 = tpu.memref_squeeze %dma_start3A_559 : memref<1x800x64xf32, #tpu.memory_space<vmem>> -> memref<800x64xf32, #tpu.memory_space<vmem>>
    tpu.enqueue_dma source(%dma_start3A_560 : memref<800x64xf32, #tpu.memory_space<vmem>>) target(%dma_start3A_556 : memref<800x64xf32, #tpu.memory_space<hbm>>) target_semaphore(%dma_start3A_554 : memref<!tpu.dma_semaphore, #tpu.memory_space<semaphore_mem>>)
    %add3A_561 = arith.constant 24000 : i32
    %add3A_562 = arith.addi %mul3A_2, %add3A_561 : i32
    %dma_wait3A_563 = arith.constant 0 : i32
    %dma_wait3A_564 = arith.constant 0 : i32
    %dma_wait3A_565 = arith.constant 0 : i32
    %dma_wait3A_566 = arith.constant 0 : i32
    %dma_wait3A_567 = tpu.memref_slice %arg6[%dma_wait3A_563, %dma_wait3A_565, %dma_wait3A_566] : memref<2x800x64xf32, #tpu.memory_space<vmem>> -> memref<1x800x64xf32, #tpu.memory_space<vmem>>
    %dma_wait3A_568 = tpu.memref_squeeze %dma_wait3A_567 : memref<1x800x64xf32, #tpu.memory_space<vmem>> -> memref<800x64xf32, #tpu.memory_space<vmem>>
    %dma_wait3A_569 = arith.constant 0 : i32
    %dma_wait3A_570 = tpu.memref_slice %arg4[%add3A_562, %dma_wait3A_569] : memref<819200x64xf32, #tpu.memory_space<hbm>> -> memref<800x64xf32, #tpu.memory_space<hbm>>
    %dma_wait3A_571 = tpu.memref_slice %arg8[%dma_wait3A_564] : memref<2x!tpu.dma_semaphore, #tpu.memory_space<semaphore_mem>> -> memref<1x!tpu.dma_semaphore, #tpu.memory_space<semaphore_mem>>
    %dma_wait3A_572 = tpu.memref_squeeze %dma_wait3A_571 : memref<1x!tpu.dma_semaphore, #tpu.memory_space<semaphore_mem>> -> memref<!tpu.dma_semaphore, #tpu.memory_space<semaphore_mem>>
    %dma_wait3A_573 = arith.constant 0 : i32
    %dma_wait3A_574 = tpu.memref_slice %arg4[%add3A_562, %dma_wait3A_573] : memref<819200x64xf32, #tpu.memory_space<hbm>> -> memref<800x64xf32, #tpu.memory_space<hbm>>
    %dma_wait3A_575 = arith.constant 0 : i32
    %dma_wait3A_576 = arith.constant 0 : i32
    %dma_wait3A_577 = tpu.memref_slice %arg6[%dma_wait3A_563, %dma_wait3A_575, %dma_wait3A_576] : memref<2x800x64xf32, #tpu.memory_space<vmem>> -> memref<1x800x64xf32, #tpu.memory_space<vmem>>
    %dma_wait3A_578 = tpu.memref_squeeze %dma_wait3A_577 : memref<1x800x64xf32, #tpu.memory_space<vmem>> -> memref<800x64xf32, #tpu.memory_space<vmem>>
    tpu.wait_dma2 semaphore(%dma_wait3A_572 : memref<!tpu.dma_semaphore, #tpu.memory_space<semaphore_mem>>) src(%dma_wait3A_578 : memref<800x64xf32, #tpu.memory_space<vmem>>) dst(%dma_wait3A_574 : memref<800x64xf32, #tpu.memory_space<hbm>>)
    %add3A_579 = arith.constant 24800 : i32
    %add3A_580 = arith.addi %mul3A_2, %add3A_579 : i32
    %dma_wait3A_581 = arith.constant 1 : i32
    %dma_wait3A_582 = arith.constant 1 : i32
    %dma_wait3A_583 = arith.constant 0 : i32
    %dma_wait3A_584 = arith.constant 0 : i32
    %dma_wait3A_585 = tpu.memref_slice %arg6[%dma_wait3A_581, %dma_wait3A_583, %dma_wait3A_584] : memref<2x800x64xf32, #tpu.memory_space<vmem>> -> memref<1x800x64xf32, #tpu.memory_space<vmem>>
    %dma_wait3A_586 = tpu.memref_squeeze %dma_wait3A_585 : memref<1x800x64xf32, #tpu.memory_space<vmem>> -> memref<800x64xf32, #tpu.memory_space<vmem>>
    %dma_wait3A_587 = arith.constant 0 : i32
    %dma_wait3A_588 = tpu.memref_slice %arg4[%add3A_580, %dma_wait3A_587] : memref<819200x64xf32, #tpu.memory_space<hbm>> -> memref<800x64xf32, #tpu.memory_space<hbm>>
    %dma_wait3A_589 = tpu.memref_slice %arg8[%dma_wait3A_582] : memref<2x!tpu.dma_semaphore, #tpu.memory_space<semaphore_mem>> -> memref<1x!tpu.dma_semaphore, #tpu.memory_space<semaphore_mem>>
    %dma_wait3A_590 = tpu.memref_squeeze %dma_wait3A_589 : memref<1x!tpu.dma_semaphore, #tpu.memory_space<semaphore_mem>> -> memref<!tpu.dma_semaphore, #tpu.memory_space<semaphore_mem>>
    %dma_wait3A_591 = arith.constant 0 : i32
    %dma_wait3A_592 = tpu.memref_slice %arg4[%add3A_580, %dma_wait3A_591] : memref<819200x64xf32, #tpu.memory_space<hbm>> -> memref<800x64xf32, #tpu.memory_space<hbm>>
    %dma_wait3A_593 = arith.constant 0 : i32
    %dma_wait3A_594 = arith.constant 0 : i32
    %dma_wait3A_595 = tpu.memref_slice %arg6[%dma_wait3A_581, %dma_wait3A_593, %dma_wait3A_594] : memref<2x800x64xf32, #tpu.memory_space<vmem>> -> memref<1x800x64xf32, #tpu.memory_space<vmem>>
    %dma_wait3A_596 = tpu.memref_squeeze %dma_wait3A_595 : memref<1x800x64xf32, #tpu.memory_space<vmem>> -> memref<800x64xf32, #tpu.memory_space<vmem>>
    tpu.wait_dma2 semaphore(%dma_wait3A_590 : memref<!tpu.dma_semaphore, #tpu.memory_space<semaphore_mem>>) src(%dma_wait3A_596 : memref<800x64xf32, #tpu.memory_space<vmem>>) dst(%dma_wait3A_592 : memref<800x64xf32, #tpu.memory_space<hbm>>)
    return
  }
}

</mosaic_0001>

<sc_bundles>
// kernel: kernel.3.cloned.1.call-start
scs
__scs_entry_jumppad:
0x0: {  	(pc) =	sbr.rel $0x88, $3  }
0x1: {  	(tag) =	ssettag $0x0;
	lr =	simm.s32 $0x1  }
0x2: {  	[smem:$0x3F9F] =	sst lr;
	_ =	strace $0xD0000000  }
0x3: {  	_ = 	snop  }
0x4: {  	_ = 	snop  }
0x5: {  	_ = 	snop  }
0x6: {  	_ = 	snop  }
0x7: {  	_ = 	snop  }
__scs_overlays_trampoline_lowered:
0x8: {  	[smem:$0x3FAE] =	sst s0  }
0x9: {  	[smem:$0x3FAF] =	sst s1  }
0xa: {  	[smem:$0x3FB0] =	sst s2  }
0xb: {  	[smem:$0x3FB1] =	sst s3  }
0xc: {  	[smem:$0x3FB2] =	sst s4  }
0xd: {  	[smem:$0x3FB3] =	sst s5  }
0xe: {  	[smem:$0x3FB4] =	sst s6  }
0xf: {  	[smem:$0x3FB5] =	sst s7  }
0x10: {  	[smem:$0x3FB6] =	sst s8  }
0x11: {  	[smem:$0x3FB7] =	sst s9;
	s0 =	simm.s32 @!p0 $0x0  }
0x12: {  	s1 =	sld [smem:$0x3F9D];
	s0 =	simm.s32 @p0 $0x1  }
0x13: {  	[smem:$0x3FB8] =	sst s0;
	s0 =	simm.s32 @!p1 $0x0  }
0x14: {  	s2 =	sld [smem:$0x3F9C];
	s0 =	simm.s32 @p1 $0x1  }
0x15: {  	[smem:$0x3FB9] =	sst s0;
	s0 =	simm.s32 @!p2 $0x0  }
0x16: {  	s3 =	sld [smem:$0x3FDB];
	s0 =	simm.s32 @p2 $0x1  }
0x17: {  	s4 =	simm.s32 $0x1BF5;
	[smem:$0x3FBB] =	sst s0  }
0x18: {  	s0 =	sld [smem:$0x3F9E];
	_ =	swait.ge [sflag:s4], $0x0  }
0x19: {  	s7 =	sld [smem:$0x3F9F]  }
0x1a: {  	s8 =	sadd.s32 $0xFFFFE003, lr  }
0x1b: {  	s9 =	sadd.s32 $0xFFFFFEF7, lr;
	s5 =	simm.s32 $0xFFFFFFFF;
	p2 =	slt.u32 s8, $0xFFFFF086  }
0x1c: {  	p1 =	slt.u32 s9, $0xF7A;
	s5 =	simm.s32 @!p2 $0x0  }
0x1d: {  	s5 =	simm.s32 @p1 $0x1;
	p0 =	seq.s32 s7, s2  }
0x1e: {  	s7 =	smul.u32 @!p0 $0xF7A, s2;
	p2 =	seq.s32 @!p0 s5, $0x0  }
0x1f: {  	s9 =	smul.u32 $0xF7A, s1;
	s8 =	simm.s32 @!p0 $0x1BF5;
	p2 =	por !p2, p0  }
0x20: {  	[sflag:s8] =	ssyncset.s32 @!p0 $0xFFFFF086;
	s6 =	sadd.s32 @!p0 s3, s7;
	s7 =	simm.s32 @!p0 $0x108  }
0x21: {  	s3 =	sadd.s32 s3, s9;
	s6 =	sadd.s32 @!p0 $0x88, s6;
	s7 =	simm.s32 @p2 $0x1082  }
0x22: {  	[simem:s7], [sflag:s8] =	dma.local @!p0 [hbm:s6], $0xF7A  }
0x23: {  	s9 =	sor.u32 $0xD0000000, s2;
	s6 =	simm.s32 $0x108;
	_ =	swait.ge @!p0 [sflag:s8], $0x0  }
0x24: {  	s3 =	sadd.s32 $0x88, s3;
	s6 =	simm.s32 @!p1 $0x1082;
	[sflag:s4] =	ssyncset.s32 $0xFFFFF086  }
0x25: {  	[simem:s6], [sflag:s4] =	dma.local [hbm:s3], $0xF7A  }
0x26: {  	[smem:$0x3F9F] =	sst s1;
	(tag) =	ssettag s2;
	_ =	strace s9  }
0x27: {  	s1 =	sld [smem:$0x3FAF]  }
0x28: {  	s2 =	sld [smem:$0x3FB0]  }
0x29: {  	s4 =	sld [smem:$0x3FB2]  }
0x2a: {  	p0 =	seq.s32 s5, $0x0;
	s5 =	sld [smem:$0x3FB3]  }
0x2b: {  	s6 =	sld [smem:$0x3FB4]  }
0x2c: {  	s7 =	sld [smem:$0x3FB5]  }
0x2d: {  	s3 =	simm.s32 $0x108;
	s8 =	sld [smem:$0x3FB6]  }
0x2e: {  	s3 =	simm.s32 @!p0 $0x1082;
	s9 =	sld [smem:$0x3FB7]  }
0x2f: {  	lr =	sadd.s32 s0, s3;
	s0 =	sld [smem:$0x3FAE]  }
0x30: {  	s3 =	sld [smem:$0x3FB1]  }
0x31: {  	[smem:$0x3FBA] =	sst s10  }
0x32: {  	s10 =	sld [smem:$0x3FB8];
	_ =	sdelay $0x3  }
0x33: {  	p0 =	seq.s32 s10, $0x1;
	s10 =	sld [smem:$0x3FBA];
	_ =	sdelay $0x3  }
0x34: {  	[smem:$0x3FBA] =	sst s10  }
0x35: {  	s10 =	sld [smem:$0x3FB9];
	_ =	sdelay $0x3  }
0x36: {  	p1 =	seq.s32 s10, $0x1;
	s10 =	sld [smem:$0x3FBA];
	_ =	sdelay $0x3  }
0x37: {  	[smem:$0x3FBA] =	sst s10  }
0x38: {  	s10 =	sld [smem:$0x3FBB]  }
0x39: {  	_ = 	snop;
	(pc) =	sbr.ind lr, $3  }
0x3a: {  	_ = 	snop  }
0x3b: {  	_ = 	snop  }
0x3c: {  	p2 =	seq.s32 s10, $0x1;
	s10 =	sld [smem:$0x3FBA]  }
0x3d: {  	_ =	shalt  }
0x3e: {  	_ =	shalt  }
0x3f: {  	_ =	shalt  }
0x40: {  	_ =	shalt  }
0x41: {  	_ =	shalt  }
0x42: {  	_ =	shalt  }
0x43: {  	_ =	shalt  }
0x44: {  	_ =	shalt  }
0x45: {  	_ =	shalt  }
0x46: {  	_ =	shalt  }
0x47: {  	_ =	shalt  }
0x48: {  	_ =	shalt  }
0x49: {  	_ =	shalt  }
0x4a: {  	_ =	shalt  }
0x4b: {  	_ =	shalt  }
0x4c: {  	_ =	shalt  }
0x4d: {  	_ =	shalt  }
0x4e: {  	_ =	shalt  }
0x4f: {  	_ =	shalt  }
0x50: {  	_ =	shalt  }
0x51: {  	_ =	shalt  }
0x52: {  	_ =	shalt  }
0x53: {  	_ =	shalt  }
0x54: {  	_ =	shalt  }
0x55: {  	_ =	shalt  }
0x56: {  	_ =	shalt  }
0x57: {  	_ =	shalt  }
0x58: {  	_ =	shalt  }
0x59: {  	_ =	shalt  }
0x5a: {  	_ =	shalt  }
0x5b: {  	_ =	shalt  }
0x5c: {  	_ =	shalt  }
0x5d: {  	_ =	shalt  }
0x5e: {  	_ =	shalt  }
0x5f: {  	_ =	shalt  }
0x60: {  	_ =	shalt  }
0x61: {  	_ =	shalt  }
0x62: {  	_ =	shalt  }
0x63: {  	_ =	shalt  }
0x64: {  	_ =	shalt  }
0x65: {  	_ =	shalt  }
0x66: {  	_ =	shalt  }
0x67: {  	_ =	shalt  }
0x68: {  	_ =	shalt  }
0x69: {  	_ =	shalt  }
0x6a: {  	_ =	shalt  }
0x6b: {  	_ =	shalt  }
0x6c: {  	_ =	shalt  }
0x6d: {  	_ =	shalt  }
0x6e: {  	_ =	shalt  }
0x6f: {  	_ =	shalt  }
0x70: {  	_ =	shalt  }
0x71: {  	_ =	shalt  }
0x72: {  	_ =	shalt  }
0x73: {  	_ =	shalt  }
0x74: {  	_ =	shalt  }
0x75: {  	_ =	shalt  }
0x76: {  	_ =	shalt  }
0x77: {  	_ =	shalt  }
0x78: {  	_ =	shalt  }
0x79: {  	_ =	shalt  }
0x7a: {  	_ =	shalt  }
0x7b: {  	_ =	shalt  }
0x7c: {  	_ =	shalt  }
0x7d: {  	_ =	shalt  }
0x7e: {  	_ =	shalt  }
0x7f: {  	_ =	shalt  }
0x80: {  	_ =	shalt  }
0x81: {  	_ =	shalt  }
0x82: {  	_ =	shalt  }
0x83: {  	_ =	shalt  }
0x84: {  	_ =	shalt  }
0x85: {  	_ =	shalt  }
0x86: {  	_ =	shalt  }
0x87: {  	_ =	shalt  }
.Lfunc_end0:
.L_simem_size_0:
called_computation.1_lowered:
.L_overlay_start_0:
0x88: {  	s2 =	sld [smem:$0x3FD9]  }
0x89: {  	s3 =	sld [smem:$0x3FFE];
	_ =	sdelay $0x1  }
0x8a: {  	s1 =	srdreg.scid  }
0x8b: {  	s0 =	sand.u32 $0x1, s1  }
0x8c: {  	s17 =	sshll.u32 s0, $0xA;
	s2 =	sadd.s32 s3, s2  }
0x8d: {  	s2 =	sadd.s32 s2, s17  }
0x8e: {  	[smem:$0x3FC6] =	sst s2  }
0x8f: {  	_ = 	snop  }
0x90: {  	s2 =	sld [smem:$0x3FD0];
	(tm) =	ssettm $0x1  }
0x91: {  	s18 =	sld [smem:$0x3FFB];
	_ =	sdelay $0x3  }
0x92: {  	_ =	strace s18  }
0x93: {  	s3 =	sld [smem:$0x3FFC];
	_ =	sdelay $0x3  }
0x94: {  	_ =	strace s3  }
0x95: {  	s3 =	sld [smem:$0x3FFD];
	_ =	sdelay $0x3  }
0x96: {  	_ =	strace s3  }
0x97: {  	_ =	strace $0x8FFFFFFF  }
0x98: {  	s19 =	sld [smem:$0x3FDB];
	_ =	sdelay $0x1  }
0x99: {  	s4 =	simm.s32 $_scs_section_size  }
0x9a: {  	s5 =	simm.s32 $_size__tile_overlayer_lowered;
	s6 =	simm.s32 $_tile_overlayer_lowered  }
0x9b: {  	s22 =	simm.s32 $0x1BFF;
	s21 =	sshll.u32 s6, $0x1;
	s3 =	sadd.s32 s4, s19  }
0x9c: {  	s7 =	simm.s32 $0x0;
	s20 =	sshll.u32 s5, $0x1;
	s5 =	sadd.s32 s21, s3  }
0x9d: {  	[timem:s7], [sflag:s22] =	dma.local [hbm:s5], s20  }
0x9e: {  	_ =	swait.ge [sflag:s22], s20  }
0x9f: {  	s4 =	ssub.s32 $0x0, s20;
	[sflag:s22] =	ssyncset.done $0x0  }
0xa0: {  	[sflag:s22] =	ssyncadd.s32 s4;
	_ =	sdelay $0x1  }
0xa1: {  	s23 =	simm.s32 $0x1B8B  }
0xa2: {  	_ =	swait.ge [sflag:s23], $0x1  }
0xa3: {  	[sflag:s23] =	ssyncset.done $0x0  }
0xa4: {  	s25 =	simm.s32 $0x1B8E;
	s24 =	sld [smem:$0x3FFE];
	[sflag:s23] =	ssyncadd.s32 $0xFFFFFFFF  }
0xa5: {  	s26 =	simm.s32 $execute0_lowered;
	[smem:$0x3FD2] =	sst s25  }
0xa6: {  	s5 =	sshll.u32 s26, $0x1;
	_ =	strace $0x80000046;
	[dreg:$0x1] =	wrdreg $0xFFFFFFFF  }
0xa7: {  	s28 =	simm.s32 $_size_execute0_lowered;
	s3 =	sadd.s32 s3, s5;
	[dreg:$0x0] =	wrdreg $0x0  }
0xa8: {  	s5 =	sshll.u32 s28, $0x1;
	[dreg:$0x2] =	wrdreg s3  }
0xa9: {  	[dreg:$0x3] =	wrdreg s5  }
0xaa: {  	[dreg:$0x4] =	wrdreg $0xC0  }
0xab: {  	_ =	task [dreg:s7], $0x5FFFF  }
0xac: {  	[dreg:$0x1] =	wrdreg $0xFFFFFFFF  }
0xad: {  	[dreg:$0x0] =	wrdreg $0x60  }
0xae: {  	[dreg:$0x2] =	wrdreg s24  }
0xaf: {  	[dreg:$0x3] =	wrdreg s2  }
0xb0: {  	[dreg:$0x4] =	wrdreg $0x9  }
0xb1: {  	_ =	task.clear_ibuf [dreg:s7], $0x5FFFF;
	_ =	strace $0x90000046  }
0xb2: {  	s29 =	simm.s32 $0x9;
	_ =	strace $0x80000048  }
0xb3: {  	_ =	swait.ge [sflag:s29], $0x1  }
0xb4: {  	[sflag:s29] =	ssyncadd.s32 $0xFFFFFFFF  }
0xb5: {  	_ =	strace $0x90000048  }
0xb6: {  	_ =	sfence  }
0xb7: {  	s30 =	sld [smem:$0x0];
	_ =	sdelay $0x2  }
0xb8: {  	s31 =	sshll.u32 s1, $0xD;
	s1 =	sshrl.u32 s1, $0x2  }
0xb9: {  	s3 =	sand.u32 $0x4000, s31;
	s1 =	sadd.s32 s1, s30  }
0xba: {  	s0 =	sor.u32 s3, s0;
	s1 =	sshll.u32 s1, $0x11  }
0xbb: {  	s0 =	sor.u32 s1, s0  }
0xbc: {  	s0 =	sadd.s32 $0x8F2B, s0  }
0xbd: {  	[sflag:s0] =	ssyncadd.remote.s32 $0x1  }
0xbe: {  	_ =	sfence.sel $0xFFFF  }
0xbf: {  	[dreg:$0x0] =	wrdreg $0xFFFFFFFF;
	(pc) =	sbr.abs _section_cstart, $3  }
0xc0: {  	[dreg:$0x1] =	wrdreg $0xFFFFFFFF  }
0xc1: {  	_ =	task.clear_ibuf [dreg:s7], $0x2FFFF;
	_ =	strace $0x9FFFFFFF  }
0xc2: {  	(tm) =	ssettm $0x7FFFFFFF  }
0xc3: {  	_ =	shalt  }
tec
execute0_lowered:
.L_overlay_start_1:
0x0: {  	(tag) =	ssettag $0x1  }
0x1: {  	s0 =	srdreg.scid  }
0x2: {  	s5 =	stileid.u32;
	s1 =	rddreg [dreg:$0x0]  }
0x3: {  	s6 =	rddreg [dreg:$0x1];
	s10 =	simm.s32 $0x50;
	s11 =	simm.s32 $0x6400  }
0x4: {  	s30 =	simm.s32 $0x1;
	s28 =	simm.s32 $0x5F0;
	s29 =	simm.s32 $0x1E000  }
0x5: {  	s0 =	sand.u32 $0x1, s0;
	s2 =	sshll.u32 s5, $0x1;
	s5 =	smul.u32 $0xC800, s5  }
0x6: {  	s4 =	sor.u32 s0, s2;
	s8 =	ssub.s32 $0x2, s0;
	s0 =	smul.u32 $0x6400, s0  }
0x7: {  	s31 =	simm.s32 $0x2;
	s12 =	simm.s32 $0x4;
	s3 =	smul.u32 $0x6400, s4  }
0x8: {  	s13 =	simm.s32 $0x0;
	s2 =	simm.s32 $0x0;
	s9 =	smul.u32 $0x190000, s4  }
0x9: {  	[smem:$0x7FF] =	sst s2;
	s24 =	sshrl.u32 s8, $0x1;
	s25 =	smul.u32 $0x32000, s4  }
0xa: {  	_ =	strace $0x80000047;
	s0 =	sadd.s32 s0, s5;
	s3 =	sshrl.u32 s3, $0x3  }
0xb: {  	s26 =	sshrl.u32 s9, $0x3;
	s0 =	sshll.u32 s0, $0x3;
	s5 =	sadd.s32 s6, s25  }
0xc: {  	s9 =	simm.s32 $0x5;
	s7 =	sadd.s32 s3, s1;
	s3 =	sadd.s32 $0xF42E00, s1  }
0xd: {  	s1 =	ssub.s32 s8, s24;
	s0 =	sadd.s32 s0, s6;
	s4 =	sadd.s32 $0xA00, s7  }
0xe: {  	s7 =	sadd.s32 s6, s26;
	s15 =	sadd.s32 $0x1900, s0;
	s0 =	simm.s32 $0x3  }
0xf: {  	s6 =	sadd.s32 $0x30700, s7;
	s7 =	smax.u32 s1, $0x1;
	s1 =	simm.s32 $0x12C00  }
.LBB2_1:
0x10: {  	[tilespmem:s2], [sflag:$0x5] =	stream.linear.gather [hbm4b:s4+s2], $0x6400, $0x38;
	[tilespmem:$0x1F400] =	vst v63  }
0x11: {  	_ =	swait.ge [sflag:s9], $0x6400  }
0x12: {  	[sflag:s9] =	ssyncset.done $0x0  }
0x13: {  	[sflag:s9] =	ssyncadd.s32 $0xFFFF9C00  }
0x14: {  	[tilespmem:s11], [sflag:$0x1] =	stream.indirect.gather [hbm4b:s3+s10], $0x40, s2, s10, $0xb8;
	[tilespmem:$0x1F400] =	vst v63  }
0x15: {  	s8 =	simm.s32 $0x7800  }
0x16: {  	[tilespmem:s8], [sflag:$0x1] =	stream.indirect.gather [hbm4b:s3+s10], $0x40, s10, s10, $0xb8;
	[tilespmem:$0x1F400] =	vst v63  }
0x17: {  	s26 =	simm.s32 $0xA0;
	s14 =	simm.s32 $0x8C00  }
0x18: {  	[tilespmem:s14], [sflag:$0x1] =	stream.indirect.gather [hbm4b:s3+s10], $0x40, s26, s10, $0xb8;
	[tilespmem:$0x1F400] =	vst v63  }
0x19: {  	s16 =	simm.s32 $0xA000;
	s14 =	simm.s32 $0xF0  }
0x1a: {  	[tilespmem:s16], [sflag:$0x1] =	stream.indirect.gather [hbm4b:s3+s10], $0x40, s14, s10, $0xb8;
	[tilespmem:$0x1F400] =	vst v63  }
0x1b: {  	s17 =	simm.s32 $0x140;
	s18 =	simm.s32 $0xB400  }
0x1c: {  	[tilespmem:s18], [sflag:$0x1] =	stream.indirect.gather [hbm4b:s3+s10], $0x40, s17, s10, $0xb8;
	[tilespmem:$0x1F400] =	vst v63  }
0x1d: {  	s19 =	simm.s32 $0x190;
	s20 =	simm.s32 $0xC800  }
0x1e: {  	[tilespmem:s20], [sflag:$0x1] =	stream.indirect.gather [hbm4b:s3+s10], $0x40, s19, s10, $0xb8;
	[tilespmem:$0x1F400] =	vst v63  }
0x1f: {  	s21 =	simm.s32 $0x1E0;
	s22 =	simm.s32 $0xDC00  }
0x20: {  	[tilespmem:s22], [sflag:$0x1] =	stream.indirect.gather [hbm4b:s3+s10], $0x40, s21, s10, $0xb8;
	[tilespmem:$0x1F400] =	vst v63  }
0x21: {  	s23 =	simm.s32 $0x230;
	s24 =	simm.s32 $0xF000  }
0x22: {  	[tilespmem:s24], [sflag:$0x1] =	stream.indirect.gather [hbm4b:s3+s10], $0x40, s23, s10, $0xb8;
	[tilespmem:$0x1F400] =	vst v63  }
0x23: {  	s25 =	simm.s32 $0x280;
	s26 =	simm.s32 $0x10400  }
0x24: {  	[tilespmem:s26], [sflag:$0x1] =	stream.indirect.gather [hbm4b:s3+s10], $0x40, s25, s10, $0xb8;
	[tilespmem:$0x1F400] =	vst v63  }
0x25: {  	s16 =	simm.s32 $0x2D0;
	s17 =	simm.s32 $0x11800  }
0x26: {  	[tilespmem:s17], [sflag:$0x1] =	stream.indirect.gather [hbm4b:s3+s10], $0x40, s16, s10, $0xb8;
	[tilespmem:$0x1F400] =	vst v63  }
0x27: {  	_ =	swait.ge [sflag:s30], $0x1400  }
0x28: {  	[sflag:s30] =	ssyncset.done $0x0  }
0x29: {  	[sflag:s30] =	ssyncadd.s32 $0xFFFFEC00  }
0x2a: {  	_ =	swait.ge [sflag:s30], $0x1400  }
0x2b: {  	[sflag:s30] =	ssyncset.done $0x0  }
0x2c: {  	[sflag:s30] =	ssyncadd.s32 $0xFFFFEC00  }
0x2d: {  	_ =	swait.ge [sflag:s30], $0x1400  }
0x2e: {  	[sflag:s30] =	ssyncset.done $0x0  }
0x2f: {  	[sflag:s30] =	ssyncadd.s32 $0xFFFFEC00  }
0x30: {  	_ =	swait.ge [sflag:s30], $0x1400  }
0x31: {  	[sflag:s30] =	ssyncset.done $0x0  }
0x32: {  	[sflag:s30] =	ssyncadd.s32 $0xFFFFEC00  }
0x33: {  	_ =	swait.ge [sflag:s30], $0x1400  }
0x34: {  	[sflag:s30] =	ssyncset.done $0x0  }
0x35: {  	[sflag:s30] =	ssyncadd.s32 $0xFFFFEC00  }
0x36: {  	_ =	swait.ge [sflag:s30], $0x1400  }
0x37: {  	[sflag:s30] =	ssyncset.done $0x0  }
0x38: {  	[sflag:s30] =	ssyncadd.s32 $0xFFFFEC00  }
0x39: {  	_ =	swait.ge [sflag:s30], $0x1400  }
0x3a: {  	[sflag:s30] =	ssyncset.done $0x0  }
0x3b: {  	[sflag:s30] =	ssyncadd.s32 $0xFFFFEC00  }
0x3c: {  	_ =	swait.ge [sflag:s30], $0x1400  }
0x3d: {  	[sflag:s30] =	ssyncset.done $0x0  }
0x3e: {  	[sflag:s30] =	ssyncadd.s32 $0xFFFFEC00  }
0x3f: {  	_ =	swait.ge [sflag:s30], $0x1400  }
0x40: {  	[sflag:s30] =	ssyncset.done $0x0  }
0x41: {  	[sflag:s30] =	ssyncadd.s32 $0xFFFFEC00  }
0x42: {  	_ =	swait.ge [sflag:s30], $0x1400  }
0x43: {  	[sflag:s30] =	ssyncset.done $0x0  }
0x44: {  	[sflag:s30] =	ssyncadd.s32 $0xFFFFEC00  }
0x45: {  	[hbm4b:s5+s2] =	stream.linear.scatter [tilespmem:s11], [sflag:$0x3], $0xC800, $0x38;
	[tilespmem:$0x1F400] =	vst v63  }
0x46: {  	s18 =	simm.s32 $0x320  }
0x47: {  	[tilespmem:s1], [sflag:$0x2] =	stream.indirect.gather [hbm4b:s3+s10], $0x40, s18, s10, $0xb8;
	[tilespmem:$0x1F400] =	vst v63  }
0x48: {  	s19 =	simm.s32 $0x370;
	s20 =	simm.s32 $0x14000  }
0x49: {  	[tilespmem:s20], [sflag:$0x2] =	stream.indirect.gather [hbm4b:s3+s10], $0x40, s19, s10, $0xb8;
	[tilespmem:$0x1F400] =	vst v63  }
0x4a: {  	s21 =	simm.s32 $0x3C0;
	s22 =	simm.s32 $0x15400  }
0x4b: {  	[tilespmem:s22], [sflag:$0x2] =	stream.indirect.gather [hbm4b:s3+s10], $0x40, s21, s10, $0xb8;
	[tilespmem:$0x1F400] =	vst v63  }
0x4c: {  	s23 =	simm.s32 $0x410;
	s24 =	simm.s32 $0x16800  }
0x4d: {  	[tilespmem:s24], [sflag:$0x2] =	stream.indirect.gather [hbm4b:s3+s10], $0x40, s23, s10, $0xb8;
	[tilespmem:$0x1F400] =	vst v63  }
0x4e: {  	s25 =	simm.s32 $0x460;
	s26 =	simm.s32 $0x17C00  }
0x4f: {  	[tilespmem:s26], [sflag:$0x2] =	stream.indirect.gather [hbm4b:s3+s10], $0x40, s25, s10, $0xb8;
	[tilespmem:$0x1F400] =	vst v63  }
0x50: {  	s16 =	simm.s32 $0x4B0;
	s17 =	simm.s32 $0x19000  }
0x51: {  	[tilespmem:s17], [sflag:$0x2] =	stream.indirect.gather [hbm4b:s3+s10], $0x40, s16, s10, $0xb8;
	[tilespmem:$0x1F400] =	vst v63  }
0x52: {  	s18 =	simm.s32 $0x500;
	s19 =	simm.s32 $0x1A400  }
0x53: {  	[tilespmem:s19], [sflag:$0x2] =	stream.indirect.gather [hbm4b:s3+s10], $0x40, s18, s10, $0xb8;
	[tilespmem:$0x1F400] =	vst v63  }
0x54: {  	s20 =	simm.s32 $0x550;
	s21 =	simm.s32 $0x1B800;
	s24 =	sand.u32 $0x1, s31  }
0x55: {  	[tilespmem:s21], [sflag:$0x2] =	stream.indirect.gather [hbm4b:s3+s10], $0x40, s20, s10, $0xb8;
	[tilespmem:$0x1F400] =	vst v63  }
0x56: {  	s22 =	simm.s32 $0x5A0;
	s23 =	simm.s32 $0x1CC00;
	s25 =	sxor.u32 $0x1, s24  }
0x57: {  	[tilespmem:s23], [sflag:$0x2] =	stream.indirect.gather [hbm4b:s3+s10], $0x40, s22, s10, $0xb8;
	[tilespmem:$0x1F400] =	vst v63  }
0x58: {  	s16 =	sadd.s32 $0x1, s25  }
0x59: {  	[tilespmem:s29], [sflag:$0x2] =	stream.indirect.gather [hbm4b:s3+s10], $0x40, s28, s10, $0xb8;
	[tilespmem:$0x1F400] =	vst v63  }
0x5a: {  	_ =	swait.ge [sflag:s16], $0x1400  }
0x5b: {  	[sflag:s16] =	ssyncset.done $0x0  }
0x5c: {  	[sflag:s16] =	ssyncadd.s32 $0xFFFFEC00  }
0x5d: {  	_ =	swait.ge [sflag:s16], $0x1400  }
0x5e: {  	[sflag:s16] =	ssyncset.done $0x0  }
0x5f: {  	[sflag:s16] =	ssyncadd.s32 $0xFFFFEC00  }
0x60: {  	_ =	swait.ge [sflag:s16], $0x1400  }
0x61: {  	[sflag:s16] =	ssyncset.done $0x0  }
0x62: {  	[sflag:s16] =	ssyncadd.s32 $0xFFFFEC00  }
0x63: {  	_ =	swait.ge [sflag:s16], $0x1400  }
0x64: {  	[sflag:s16] =	ssyncset.done $0x0  }
0x65: {  	[sflag:s16] =	ssyncadd.s32 $0xFFFFEC00  }
0x66: {  	_ =	swait.ge [sflag:s16], $0x1400  }
0x67: {  	[sflag:s16] =	ssyncset.done $0x0  }
0x68: {  	[sflag:s16] =	ssyncadd.s32 $0xFFFFEC00  }
0x69: {  	_ =	swait.ge [sflag:s16], $0x1400  }
0x6a: {  	[sflag:s16] =	ssyncset.done $0x0  }
0x6b: {  	[sflag:s16] =	ssyncadd.s32 $0xFFFFEC00  }
0x6c: {  	_ =	swait.ge [sflag:s16], $0x1400  }
0x6d: {  	[sflag:s16] =	ssyncset.done $0x0  }
0x6e: {  	[sflag:s16] =	ssyncadd.s32 $0xFFFFEC00  }
0x6f: {  	_ =	swait.ge [sflag:s16], $0x1400  }
0x70: {  	[sflag:s16] =	ssyncset.done $0x0  }
0x71: {  	[sflag:s16] =	ssyncadd.s32 $0xFFFFEC00  }
0x72: {  	_ =	swait.ge [sflag:s16], $0x1400  }
0x73: {  	[sflag:s16] =	ssyncset.done $0x0  }
0x74: {  	s17 =	smul.u32 $0x32000, s25;
	[sflag:s16] =	ssyncadd.s32 $0xFFFFEC00  }
0x75: {  	s14 =	sadd.s32 $0x3, s25;
	_ =	swait.ge [sflag:s16], $0x1400  }
0x76: {  	s18 =	smul.u32 $0x32000, s24;
	s17 =	sshrl.u32 s17, $0x2;
	[sflag:s16] =	ssyncset.done $0x0  }
0x77: {  	s19 =	sadd.s32 $0x3, s24;
	s26 =	sadd.s32 $0x6400, s17;
	[sflag:s16] =	ssyncadd.s32 $0xFFFFEC00  }
0x78: {  	[hbm4b:s15+s2] =	stream.linear.scatter [tilespmem:s26], [sflag:s14], $0xC800, $0x38;
	[tilespmem:$0x1F400] =	vst v63  }
0x79: {  	_ =	swait.ge [sflag:s19], $0xC800  }
0x7a: {  	s18 =	sshrl.u32 s18, $0x2;
	s21 =	sadd.s32 $0x1, s24;
	[sflag:s19] =	ssyncset.done $0x0  }
0x7b: {  	s17 =	sadd.s32 $0x6400, s18;
	[sflag:s19] =	ssyncadd.s32 $0xFFFF3800;
	s19 =	simm.s32 $0x640  }
0x7c: {  	[tilespmem:s17], [sflag:s21] =	stream.indirect.gather [hbm4b:s3+s10], $0x40, s19, s10, $0xb8;
	[tilespmem:$0x1F400] =	vst v63  }
0x7d: {  	s20 =	sadd.s32 $0x7800, s18;
	s22 =	simm.s32 $0x690  }
0x7e: {  	[tilespmem:s20], [sflag:s21] =	stream.indirect.gather [hbm4b:s3+s10], $0x40, s22, s10, $0xb8;
	[tilespmem:$0x1F400] =	vst v63  }
0x7f: {  	s24 =	simm.s32 $0x6E0;
	s23 =	sadd.s32 $0x8C00, s18  }
0x80: {  	[tilespmem:s23], [sflag:s21] =	stream.indirect.gather [hbm4b:s3+s10], $0x40, s24, s10, $0xb8;
	[tilespmem:$0x1F400] =	vst v63  }
0x81: {  	s25 =	sadd.s32 $0xA000, s18;
	s26 =	simm.s32 $0x730  }
0x82: {  	[tilespmem:s25], [sflag:s21] =	stream.indirect.gather [hbm4b:s3+s10], $0x40, s26, s10, $0xb8;
	[tilespmem:$0x1F400] =	vst v63  }
0x83: {  	s16 =	simm.s32 $0x780;
	s14 =	sadd.s32 $0xB400, s18  }
0x84: {  	[tilespmem:s14], [sflag:s21] =	stream.indirect.gather [hbm4b:s3+s10], $0x40, s16, s10, $0xb8;
	[tilespmem:$0x1F400] =	vst v63  }
0x85: {  	s8 =	smov.u32 s15;
	s17 =	sadd.s32 $0xC800, s18;
	s19 =	simm.s32 $0x7D0  }
0x86: {  	[tilespmem:s17], [sflag:s21] =	stream.indirect.gather [hbm4b:s3+s10], $0x40, s19, s10, $0xb8;
	[tilespmem:$0x1F400] =	vst v63  }
0x87: {  	s20 =	sadd.s32 $0xDC00, s18;
	s22 =	simm.s32 $0x820;
	s23 =	sadd.s32 $0xF000, s18  }
0x88: {  	[tilespmem:s20], [sflag:s21] =	stream.indirect.gather [hbm4b:s3+s10], $0x40, s22, s10, $0xb8;
	[tilespmem:$0x1F400] =	vst v63  }
0x89: {  	s24 =	simm.s32 $0x870;
	s25 =	sor.u32 $0x10400, s18;
	s26 =	simm.s32 $0x8C0  }
0x8a: {  	[tilespmem:s23], [sflag:s21] =	stream.indirect.gather [hbm4b:s3+s10], $0x40, s24, s10, $0xb8;
	[tilespmem:$0x1F400] =	vst v63  }
0x8b: {  	s14 =	simm.s32 $0xC80;
	s16 =	simm.s32 $0x1900;
	s17 =	simm.s32 $0x3  }
0x8c: {  	[tilespmem:s25], [sflag:s21] =	stream.indirect.gather [hbm4b:s3+s10], $0x40, s26, s10, $0xb8;
	[tilespmem:$0x1F400] =	vst v63  }
0x8d: {  	s19 =	sadd.s32 $0x11800, s18;
	s18 =	sand.u32 $0x1, s17;
	s25 =	simm.s32 $0x910  }
.LBB2_2:
0x8e: {  	s23 =	sxor.u32 $0x1, s18  }
0x8f: {  	s20 =	smul.u32 $0x32000, s18;
	s8 =	sadd.s32 $0x1900, s8;
	s22 =	smov.u32 s16  }
0x90: {  	p0 =	sne.s32 s16, $0x16A80;
	s24 =	sadd.s32 $0x1, s23;
	s26 =	smul.u32 $0x32000, s23  }
0x91: {  	[tilespmem:s19], [sflag:s21] =	stream.indirect.gather [hbm4b:s3+s10], $0x40, s25, s10, $0xb8;
	[tilespmem:$0x1F400] =	vst v63  }
0x92: {  	s20 =	sshrl.u32 s20, $0x2;
	_ =	swait.ge [sflag:s24], $0x1400;
	s21 =	sshrl.u32 s26, $0x2  }
0x93: {  	s16 =	sadd.s32 $0xC80, s16;
	s19 =	sadd.s32 $0x11800, s20;
	[sflag:s24] =	ssyncset.done $0x0  }
0x94: {  	[sflag:s24] =	ssyncadd.s32 $0xFFFFEC00  }
0x95: {  	_ =	swait.ge [sflag:s24], $0x1400  }
0x96: {  	[sflag:s24] =	ssyncset.done $0x0  }
0x97: {  	[sflag:s24] =	ssyncadd.s32 $0xFFFFEC00  }
0x98: {  	_ =	swait.ge [sflag:s24], $0x1400  }
0x99: {  	[sflag:s24] =	ssyncset.done $0x0  }
0x9a: {  	[sflag:s24] =	ssyncadd.s32 $0xFFFFEC00  }
0x9b: {  	_ =	swait.ge [sflag:s24], $0x1400  }
0x9c: {  	[sflag:s24] =	ssyncset.done $0x0  }
0x9d: {  	[sflag:s24] =	ssyncadd.s32 $0xFFFFEC00  }
0x9e: {  	_ =	swait.ge [sflag:s24], $0x1400  }
0x9f: {  	[sflag:s24] =	ssyncset.done $0x0  }
0xa0: {  	[sflag:s24] =	ssyncadd.s32 $0xFFFFEC00  }
0xa1: {  	_ =	swait.ge [sflag:s24], $0x1400  }
0xa2: {  	[sflag:s24] =	ssyncset.done $0x0  }
0xa3: {  	[sflag:s24] =	ssyncadd.s32 $0xFFFFEC00  }
0xa4: {  	_ =	swait.ge [sflag:s24], $0x1400  }
0xa5: {  	[sflag:s24] =	ssyncset.done $0x0  }
0xa6: {  	[sflag:s24] =	ssyncadd.s32 $0xFFFFEC00  }
0xa7: {  	_ =	swait.ge [sflag:s24], $0x1400  }
0xa8: {  	[sflag:s24] =	ssyncset.done $0x0  }
0xa9: {  	[sflag:s24] =	ssyncadd.s32 $0xFFFFEC00  }
0xaa: {  	_ =	swait.ge [sflag:s24], $0x1400  }
0xab: {  	[sflag:s24] =	ssyncset.done $0x0  }
0xac: {  	[sflag:s24] =	ssyncadd.s32 $0xFFFFEC00  }
0xad: {  	_ =	swait.ge [sflag:s24], $0x1400  }
0xae: {  	s25 =	sadd.s32 $0x3, s18;
	[sflag:s24] =	ssyncset.done $0x0  }
0xaf: {  	s23 =	sadd.s32 $0x3, s23;
	s21 =	sadd.s32 $0x6400, s21;
	[sflag:s24] =	ssyncadd.s32 $0xFFFFEC00  }
0xb0: {  	[hbm4b:s8+s2] =	stream.linear.scatter [tilespmem:s21], [sflag:s23], $0xC800, $0x38;
	[tilespmem:$0x1F400] =	vst v63  }
0xb1: {  	_ =	swait.ge [sflag:s25], $0xC800  }
0xb2: {  	s23 =	sshra.s32 s14, $0x2;
	s21 =	sadd.s32 $0x1, s18;
	[sflag:s25] =	ssyncset.done $0x0  }
0xb3: {  	s14 =	sadd.s32 $0x6400, s20;
	s18 =	sadd.s32 $0x640, s23;
	[sflag:s25] =	ssyncadd.s32 $0xFFFF3800  }
0xb4: {  	[tilespmem:s14], [sflag:s21] =	stream.indirect.gather [hbm4b:s3+s10], $0x40, s18, s10, $0xb8;
	[tilespmem:$0x1F400] =	vst v63  }
0xb5: {  	s25 =	sadd.s32 $0x910, s23;
	s14 =	sadd.s32 $0x7800, s20;
	s18 =	sadd.s32 $0x690, s23  }
0xb6: {  	[tilespmem:s14], [sflag:s21] =	stream.indirect.gather [hbm4b:s3+s10], $0x40, s18, s10, $0xb8;
	[tilespmem:$0x1F400] =	vst v63  }
0xb7: {  	s24 =	sadd.s32 $0x6E0, s23;
	s18 =	sadd.s32 $0x8C00, s20;
	s14 =	smov.u32 s22  }
0xb8: {  	[tilespmem:s18], [sflag:s21] =	stream.indirect.gather [hbm4b:s3+s10], $0x40, s24, s10, $0xb8;
	[tilespmem:$0x1F400] =	vst v63  }
0xb9: {  	s22 =	sadd.s32 $0x730, s23;
	s18 =	sadd.s32 $0xA000, s20  }
0xba: {  	[tilespmem:s18], [sflag:s21] =	stream.indirect.gather [hbm4b:s3+s10], $0x40, s22, s10, $0xb8;
	[tilespmem:$0x1F400] =	vst v63  }
0xbb: {  	s18 =	sadd.s32 $0xB400, s20;
	s22 =	sadd.s32 $0x780, s23  }
0xbc: {  	[tilespmem:s18], [sflag:s21] =	stream.indirect.gather [hbm4b:s3+s10], $0x40, s22, s10, $0xb8;
	[tilespmem:$0x1F400] =	vst v63  }
0xbd: {  	s18 =	sadd.s32 $0xC800, s20;
	s22 =	sadd.s32 $0x7D0, s23  }
0xbe: {  	[tilespmem:s18], [sflag:s21] =	stream.indirect.gather [hbm4b:s3+s10], $0x40, s22, s10, $0xb8;
	[tilespmem:$0x1F400] =	vst v63  }
0xbf: {  	s18 =	sadd.s32 $0xDC00, s20;
	s22 =	sadd.s32 $0x820, s23  }
0xc0: {  	[tilespmem:s18], [sflag:s21] =	stream.indirect.gather [hbm4b:s3+s10], $0x40, s22, s10, $0xb8;
	[tilespmem:$0x1F400] =	vst v63  }
.Ltmp0:
0xc1: {  	_ = 	snop;
	(pc) =	sbr.rel @p0 .LBB2_2-.Ltmp0, $4  }
0xc2: {  	s17 =	sadd.s32 $0x1, s17;
	s18 =	sadd.s32 $0xF000, s20;
	s22 =	sadd.s32 $0x870, s23  }
0xc3: {  	[tilespmem:s18], [sflag:s21] =	stream.indirect.gather [hbm4b:s3+s10], $0x40, s22, s10, $0xb8;
	[tilespmem:$0x1F400] =	vst v63  }
0xc4: {  	s20 =	sor.u32 $0x10400, s20;
	s18 =	sand.u32 $0x1, s17;
	s22 =	sadd.s32 $0x8C0, s23  }
0xc5: {  	[tilespmem:s20], [sflag:s21] =	stream.indirect.gather [hbm4b:s3+s10], $0x40, s22, s10, $0xb8;
	[tilespmem:$0x1F400] =	vst v63  }
0xc6: {  	s16 =	sxor.u32 $0x1, s18  }
0xc7: {  	[tilespmem:s19], [sflag:s21] =	stream.indirect.gather [hbm4b:s3+s10], $0x40, s25, s10, $0xb8;
	[tilespmem:$0x1F400] =	vst v63  }
0xc8: {  	s17 =	sadd.s32 $0x1, s16  }
0xc9: {  	_ =	swait.ge [sflag:s17], $0x1400  }
0xca: {  	[sflag:s17] =	ssyncset.done $0x0  }
0xcb: {  	[sflag:s17] =	ssyncadd.s32 $0xFFFFEC00  }
0xcc: {  	_ =	swait.ge [sflag:s17], $0x1400  }
0xcd: {  	[sflag:s17] =	ssyncset.done $0x0  }
0xce: {  	[sflag:s17] =	ssyncadd.s32 $0xFFFFEC00  }
0xcf: {  	_ =	swait.ge [sflag:s17], $0x1400  }
0xd0: {  	[sflag:s17] =	ssyncset.done $0x0  }
0xd1: {  	[sflag:s17] =	ssyncadd.s32 $0xFFFFEC00  }
0xd2: {  	_ =	swait.ge [sflag:s17], $0x1400  }
0xd3: {  	[sflag:s17] =	ssyncset.done $0x0  }
0xd4: {  	[sflag:s17] =	ssyncadd.s32 $0xFFFFEC00  }
0xd5: {  	_ =	swait.ge [sflag:s17], $0x1400  }
0xd6: {  	[sflag:s17] =	ssyncset.done $0x0  }
0xd7: {  	[sflag:s17] =	ssyncadd.s32 $0xFFFFEC00  }
0xd8: {  	_ =	swait.ge [sflag:s17], $0x1400  }
0xd9: {  	[sflag:s17] =	ssyncset.done $0x0  }
0xda: {  	[sflag:s17] =	ssyncadd.s32 $0xFFFFEC00  }
0xdb: {  	_ =	swait.ge [sflag:s17], $0x1400  }
0xdc: {  	[sflag:s17] =	ssyncset.done $0x0  }
0xdd: {  	[sflag:s17] =	ssyncadd.s32 $0xFFFFEC00  }
0xde: {  	_ =	swait.ge [sflag:s17], $0x1400  }
0xdf: {  	[sflag:s17] =	ssyncset.done $0x0  }
0xe0: {  	[sflag:s17] =	ssyncadd.s32 $0xFFFFEC00  }
0xe1: {  	_ =	swait.ge [sflag:s17], $0x1400  }
0xe2: {  	[sflag:s17] =	ssyncset.done $0x0  }
0xe3: {  	s22 =	smul.u32 $0x32000, s16;
	[sflag:s17] =	ssyncadd.s32 $0xFFFFEC00  }
0xe4: {  	s20 =	smul.u32 $0x32000, s18;
	s8 =	sadd.s32 $0x1900, s8;
	_ =	swait.ge [sflag:s17], $0x1400  }
0xe5: {  	s23 =	sadd.s32 $0x3, s18;
	s19 =	sshrl.u32 s22, $0x2;
	[sflag:s17] =	ssyncset.done $0x0  }
0xe6: {  	s16 =	sadd.s32 $0x3, s16;
	s24 =	sadd.s32 $0x6400, s19;
	[sflag:s17] =	ssyncadd.s32 $0xFFFFEC00  }
0xe7: {  	[hbm4b:s8+s2] =	stream.linear.scatter [tilespmem:s24], [sflag:s16], $0xC800, $0x38;
	[tilespmem:$0x1F400] =	vst v63  }
0xe8: {  	s14 =	sshra.s32 s14, $0x2;
	_ =	swait.ge [sflag:s23], $0xC800  }
0xe9: {  	s26 =	sadd.s32 $0x640, s14;
	s8 =	sshrl.u32 s20, $0x2;
	[sflag:s23] =	ssyncset.done $0x0  }
0xea: {  	s16 =	sadd.s32 $0x1, s18;
	s25 =	sadd.s32 $0x6400, s8;
	[sflag:s23] =	ssyncadd.s32 $0xFFFF3800  }
0xeb: {  	[tilespmem:s25], [sflag:s16] =	stream.indirect.gather [hbm4b:s3+s10], $0x40, s26, s10, $0xb8;
	[tilespmem:$0x1F400] =	vst v63  }
0xec: {  	s20 =	sadd.s32 $0x690, s14;
	s19 =	sadd.s32 $0x7800, s8  }
0xed: {  	[tilespmem:s19], [sflag:s16] =	stream.indirect.gather [hbm4b:s3+s10], $0x40, s20, s10, $0xb8;
	[tilespmem:$0x1F400] =	vst v63  }
0xee: {  	s22 =	sadd.s32 $0x6E0, s14;
	s21 =	sadd.s32 $0x8C00, s8  }
0xef: {  	[tilespmem:s21], [sflag:s16] =	stream.indirect.gather [hbm4b:s3+s10], $0x40, s22, s10, $0xb8;
	[tilespmem:$0x1F400] =	vst v63  }
0xf0: {  	s24 =	sadd.s32 $0x730, s14;
	s23 =	sadd.s32 $0xA000, s8  }
0xf1: {  	[tilespmem:s23], [sflag:s16] =	stream.indirect.gather [hbm4b:s3+s10], $0x40, s24, s10, $0xb8;
	[tilespmem:$0x1F400] =	vst v63  }
0xf2: {  	s25 =	sadd.s32 $0xB400, s8;
	s26 =	sadd.s32 $0x780, s14  }
0xf3: {  	[tilespmem:s25], [sflag:s16] =	stream.indirect.gather [hbm4b:s3+s10], $0x40, s26, s10, $0xb8;
	[tilespmem:$0x1F400] =	vst v63  }
0xf4: {  	s19 =	sadd.s32 $0xC800, s8;
	s20 =	sadd.s32 $0x7D0, s14  }
0xf5: {  	[tilespmem:s19], [sflag:s16] =	stream.indirect.gather [hbm4b:s3+s10], $0x40, s20, s10, $0xb8;
	[tilespmem:$0x1F400] =	vst v63  }
0xf6: {  	s21 =	sadd.s32 $0xDC00, s8;
	s22 =	sadd.s32 $0x820, s14  }
0xf7: {  	[tilespmem:s21], [sflag:s16] =	stream.indirect.gather [hbm4b:s3+s10], $0x40, s22, s10, $0xb8;
	[tilespmem:$0x1F400] =	vst v63  }
0xf8: {  	s23 =	sadd.s32 $0xF000, s8;
	s24 =	sadd.s32 $0x870, s14  }
0xf9: {  	[tilespmem:s23], [sflag:s16] =	stream.indirect.gather [hbm4b:s3+s10], $0x40, s24, s10, $0xb8;
	[tilespmem:$0x1F400] =	vst v63  }
0xfa: {  	s25 =	sor.u32 $0x10400, s8;
	s26 =	sadd.s32 $0x8C0, s14  }
0xfb: {  	[tilespmem:s25], [sflag:s16] =	stream.indirect.gather [hbm4b:s3+s10], $0x40, s26, s10, $0xb8;
	[tilespmem:$0x1F400] =	vst v63  }
0xfc: {  	s8 =	sadd.s32 $0x11800, s8;
	s14 =	sadd.s32 $0x910, s14  }
0xfd: {  	[tilespmem:s8], [sflag:s16] =	stream.indirect.gather [hbm4b:s3+s10], $0x40, s14, s10, $0xb8;
	[tilespmem:$0x1F400] =	vst v63  }
0xfe: {  	_ =	swait.ge [sflag:s31], $0x1400  }
0xff: {  	[sflag:s31] =	ssyncset.done $0x0  }
0x100: {  	[sflag:s31] =	ssyncadd.s32 $0xFFFFEC00  }
0x101: {  	_ =	swait.ge [sflag:s31], $0x1400  }
0x102: {  	[sflag:s31] =	ssyncset.done $0x0  }
0x103: {  	[sflag:s31] =	ssyncadd.s32 $0xFFFFEC00  }
0x104: {  	_ =	swait.ge [sflag:s31], $0x1400  }
0x105: {  	[sflag:s31] =	ssyncset.done $0x0  }
0x106: {  	[sflag:s31] =	ssyncadd.s32 $0xFFFFEC00  }
0x107: {  	_ =	swait.ge [sflag:s31], $0x1400  }
0x108: {  	[sflag:s31] =	ssyncset.done $0x0  }
0x109: {  	[sflag:s31] =	ssyncadd.s32 $0xFFFFEC00  }
0x10a: {  	_ =	swait.ge [sflag:s31], $0x1400  }
0x10b: {  	[sflag:s31] =	ssyncset.done $0x0  }
0x10c: {  	[sflag:s31] =	ssyncadd.s32 $0xFFFFEC00  }
0x10d: {  	_ =	swait.ge [sflag:s31], $0x1400  }
0x10e: {  	[sflag:s31] =	ssyncset.done $0x0  }
0x10f: {  	[sflag:s31] =	ssyncadd.s32 $0xFFFFEC00  }
0x110: {  	_ =	swait.ge [sflag:s31], $0x1400  }
0x111: {  	[sflag:s31] =	ssyncset.done $0x0  }
0x112: {  	[sflag:s31] =	ssyncadd.s32 $0xFFFFEC00  }
0x113: {  	_ =	swait.ge [sflag:s31], $0x1400  }
0x114: {  	[sflag:s31] =	ssyncset.done $0x0  }
0x115: {  	[sflag:s31] =	ssyncadd.s32 $0xFFFFEC00  }
0x116: {  	_ =	swait.ge [sflag:s31], $0x1400  }
0x117: {  	[sflag:s31] =	ssyncset.done $0x0  }
0x118: {  	[sflag:s31] =	ssyncadd.s32 $0xFFFFEC00  }
0x119: {  	_ =	swait.ge [sflag:s31], $0x1400  }
0x11a: {  	[sflag:s31] =	ssyncset.done $0x0  }
0x11b: {  	s13 =	sadd.s32 $0x1, s13;
	[sflag:s31] =	ssyncadd.s32 $0xFFFFEC00  }
0x11c: {  	[hbm4b:s6+s2] =	stream.linear.scatter [tilespmem:s1], [sflag:$0x4], $0xC800, $0x38;
	[tilespmem:$0x1F400] =	vst v63  }
0x11d: {  	p0 =	sne.s32 s13, s7;
	_ =	swait.ge [sflag:s0], $0xC800  }
.Ltmp1:
0x11e: {  	[sflag:s0] =	ssyncset.done $0x0;
	(pc) =	sbr.rel @p0 .LBB2_1-.Ltmp1, $4  }
0x11f: {  	[sflag:s0] =	ssyncadd.s32 $0xFFFF3800  }
0x120: {  	_ =	swait.ge [sflag:s12], $0xC800  }
0x121: {  	[sflag:s12] =	ssyncset.done $0x0  }
0x122: {  	[sflag:s12] =	ssyncadd.s32 $0xFFFF3800  }
0x123: {  	_ =	sfence.sel $0x180000  }
0x124: {  	[bflag:$0x0] =	sbarrier.arrive $0xFFFF  }
0x125: {  	_ =	strace $0x90000047  }
0x126: {  	s0 =	stileid.u32;
	[bflag:$0x2] =	sbarrier.arrive $0xFFFF  }
0x127: {  	p0 =	sne.s32 s0, $0x0;
	s0 =	rddreg [dreg:$0x2]  }
0x128: {  	s0 =	sadd.s32 @!p0 $0x100000, s0  }
0x129: {  	[sflag:s0] =	ssyncadd.tile.s32 @!p0 $0x1;
	_ =	shalt  }
.Lfunc_end2:
_tile_overlayer_lowered:
.L_overlay_start_2:
0x12a: {  	(tag) =	ssettag $0x2  }
0x12b: {  	s0 =	rddreg [dreg:$0x0];
	s2 =	stileid.u32  }
0x12c: {  	s1 =	rddreg [dreg:$0x1];
	p0 =	sne.s32 s2, $0x0  }
0x12d: {  	s3 =	rddreg [dreg:$0x2];
	[bflag:$0x3] =	sbarrier.arrive $0xFFFF;
	s2 =	simm.s32 @!p0 $0x1C05  }
0x12e: {  	[timem:s3], [sflag:s2] =	dma.local @!p0 [hbm:s0], s1  }
0x12f: {  	s0 =	simm.s32 @!p0 $0x5  }
0x130: {  	_ =	swait.ge @!p0 [sflag:s0], s1  }
0x131: {  	s1 =	ssub.s32 @!p0 $0x0, s1;
	[sflag:s0] =	ssyncset.done @!p0 $0x0  }
0x132: {  	[sflag:s0] =	ssyncadd.s32 @!p0 s1  }
0x133: {  	[bflag:$0x3] =	sbarrier.arrive $0xFFFF  }
0x134: {  	_ =	shalt  }

// kernel: sparse-core-data-format-call.cloned.1.call-start
scs
called_computation_lowered:
.L_overlay_start_0:
0x0: {  	s2 =	sld [smem:$0x3FD9]  }
0x1: {  	s3 =	sld [smem:$0x3FFE];
	_ =	sdelay $0x1  }
0x2: {  	s1 =	srdreg.scid  }
0x3: {  	s0 =	sand.u32 $0x1, s1  }
0x4: {  	s18 =	sshll.u32 s0, $0xA;
	s2 =	sadd.s32 s3, s2  }
0x5: {  	s2 =	sadd.s32 s2, s18  }
0x6: {  	[smem:$0x3FC6] =	sst s2  }
0x7: {  	_ = 	snop  }
0x8: {  	s2 =	sld [smem:$0x3FD0];
	(tm) =	ssettm $0x1  }
0x9: {  	s19 =	sld [smem:$0x3FFB];
	_ =	sdelay $0x3  }
0xa: {  	_ =	strace s19  }
0xb: {  	s3 =	sld [smem:$0x3FFC];
	_ =	sdelay $0x3  }
0xc: {  	_ =	strace s3  }
0xd: {  	s3 =	sld [smem:$0x3FFD];
	_ =	sdelay $0x3  }
0xe: {  	_ =	strace s3  }
0xf: {  	_ =	strace $0x8FFFFFFF  }
0x10: {  	s20 =	sld [smem:$0x3FDB];
	_ =	sdelay $0x1  }
0x11: {  	s4 =	simm.s32 $_scs_section_size  }
0x12: {  	s5 =	simm.s32 $_size__tile_overlayer_lowered;
	s6 =	simm.s32 $_tile_overlayer_lowered  }
0x13: {  	s23 =	simm.s32 $0x1BFF;
	s22 =	sshll.u32 s6, $0x1;
	s3 =	sadd.s32 s4, s20  }
0x14: {  	s7 =	simm.s32 $0x0;
	s21 =	sshll.u32 s5, $0x1;
	s5 =	sadd.s32 s22, s3  }
0x15: {  	[timem:s7], [sflag:s23] =	dma.local [hbm:s5], s21  }
0x16: {  	_ =	swait.ge [sflag:s23], s21  }
0x17: {  	s4 =	ssub.s32 $0x0, s21;
	[sflag:s23] =	ssyncset.done $0x0  }
0x18: {  	[sflag:s23] =	ssyncadd.s32 s4;
	_ =	sdelay $0x1  }
0x19: {  	s24 =	simm.s32 $0x1B8B  }
0x1a: {  	_ =	swait.ge [sflag:s24], $0x1  }
0x1b: {  	[sflag:s24] =	ssyncset.done $0x0  }
0x1c: {  	s26 =	simm.s32 $0x1B8E;
	s25 =	sld [smem:$0x3FFE];
	[sflag:s24] =	ssyncadd.s32 $0xFFFFFFFF  }
0x1d: {  	s27 =	simm.s32 $execute0_lowered;
	[smem:$0x3FD2] =	sst s26  }
0x1e: {  	s5 =	sshll.u32 s27, $0x1;
	_ =	strace $0x80000049;
	[dreg:$0x1] =	wrdreg $0xFFFFFFFF  }
0x1f: {  	s28 =	simm.s32 $_size_execute0_lowered;
	s3 =	sadd.s32 s3, s5;
	[dreg:$0x0] =	wrdreg $0x0  }
0x20: {  	s5 =	sshll.u32 s28, $0x1;
	[dreg:$0x2] =	wrdreg s3  }
0x21: {  	[dreg:$0x3] =	wrdreg s5  }
0x22: {  	[dreg:$0x4] =	wrdreg $0xC0  }
0x23: {  	_ =	task [dreg:s7], $0x5FFFF  }
0x24: {  	[dreg:$0x1] =	wrdreg $0xFFFFFFFF  }
0x25: {  	[dreg:$0x0] =	wrdreg $0x60  }
0x26: {  	[dreg:$0x2] =	wrdreg s25  }
0x27: {  	[dreg:$0x3] =	wrdreg s2  }
0x28: {  	[dreg:$0x4] =	wrdreg $0x9  }
0x29: {  	_ =	task.clear_ibuf [dreg:s7], $0x5FFFF;
	_ =	strace $0x90000049  }
0x2a: {  	s29 =	simm.s32 $0x9;
	_ =	strace $0x8000004B  }
0x2b: {  	_ =	swait.ge [sflag:s29], $0x1  }
0x2c: {  	[sflag:s29] =	ssyncadd.s32 $0xFFFFFFFF  }
0x2d: {  	_ =	strace $0x9000004B  }
0x2e: {  	_ =	sfence  }
0x2f: {  	s30 =	sld [smem:$0x0];
	_ =	sdelay $0x2  }
0x30: {  	s31 =	sshll.u32 s1, $0xD;
	s1 =	sshrl.u32 s1, $0x2  }
0x31: {  	s3 =	sand.u32 $0x4000, s31;
	s1 =	sadd.s32 s1, s30  }
0x32: {  	s0 =	sor.u32 s3, s0;
	s1 =	sshll.u32 s1, $0x11  }
0x33: {  	s0 =	sor.u32 s1, s0  }
0x34: {  	s0 =	sadd.s32 $0x8F2B, s0  }
0x35: {  	[sflag:s0] =	ssyncadd.remote.s32 $0x1  }
0x36: {  	_ =	sfence.sel $0xFFFF  }
0x37: {  	[dreg:$0x0] =	wrdreg $0xFFFFFFFF;
	(pc) =	sbr.abs _section_cstart, $3  }
0x38: {  	[dreg:$0x1] =	wrdreg $0xFFFFFFFF  }
0x39: {  	_ =	task.clear_ibuf [dreg:s7], $0x2FFFF;
	_ =	strace $0x9FFFFFFF  }
0x3a: {  	(tm) =	ssettm $0x7FFFFFFF  }
0x3b: {  	_ =	shalt  }
tec
execute0_lowered:
.L_overlay_start_1:
0x0: {  	(tag) =	ssettag $0x1  }
0x1: {  	s0 =	srdreg.scid  }
0x2: {  	s1 =	sshll.u32 s0, $0x4  }
0x3: {  	s0 =	stileid.u32;
	s1 =	sand.u32 $0x10, s1  }
0x4: {  	s1 =	sor.u32 s0, s1  }
0x5: {  	s6 =	rddreg [dreg:$0x0];
	s4 =	simm.s32 $0x1;
	s2 =	sshll.u32 s1, $0x7  }
0x6: {  	s7 =	simm.s32 $0x2;
	s12 =	simm.s32 $0x0;
	s1 =	ssub.s32 $0x1000, s2  }
0x7: {  	s8 =	simm.s32 $0x8000;
	s13 =	simm.s32 $0x0;
	s3 =	sand.u32 $0xF80, s1  }
0x8: {  	s9 =	simm.s32 $0x0;
	s5 =	sshrl.u32 s1, $0xC;
	p0 =	sne.s32 s3, $0x0  }
.Ltmp0:
0x9: {  	s1 =	rddreg [dreg:$0x2];
	s4 =	simm.s32 @!p0 $0x0;
	(pc) =	sbr.rel .LBB1_1-.Ltmp0, $4  }
0xa: {  	s11 =	simm.s32 $0x0;
	s3 =	rddreg [dreg:$0x1];
	s5 =	sadd.s32 s4, s5  }
0xb: {  	_ =	strace $0x8000004A;
	s4 =	simm.s32 $0x1;
	s5 =	smul.u32 $0xC8, s5  }
0xc: {  	s6 =	sadd.s32 $0xA00, s6;
	s10 =	smov.u32 s2;
	[sflag:s4] =	ssyncpa.u1 $0x0  }
0xd: {  	p0 =	por $0x0, $0x0;
	[sflag:s7] =	ssyncpa.u1 $0x0;
	s7 =	sor.u32 $0x1, s5  }
.LBB1_4:
0xe: {  	s16 =	sshll.u32 s13, $0x3;
	s17 =	sand.u32 $0x78, s13  }
0xf: {  	s30 =	sand.u32 $0x7E00, s13;
	s12 =	sshll.u32 s12, $0xF;
	s16 =	sand.u32 $0xC00, s16  }
0x10: {  	[tilespmem:s15+$0x810 ss:$0x81] =	vst.msk $0xffff, v2;
	s31 =	sand.u32 $0x7, s13;
	s16 =	sor.u32 s17, s16;
	s17 =	sadd.s32 s3, s30  }
0x11: {  	[tilespmem:s15+$0x1020 ss:$0x81] =	vst.msk $0xffff, v0;
	s13 =	sshll.u32 s31, $0x12;
	s12 =	sadd.s32 s12, s17;
	s16 =	sshrl.u32 s16, $0x3  }
0x12: {  	[tilespmem:s15+$0x0 ss:$0x81] =	vst.msk $0xffff, v1;
	s13 =	sor.u32 $0x400, s13;
	s12 =	sadd.s32 s16, s12  }
0x13: {  	[hbm4b:s12+s13] =	stream.strided.scatter [tilespmem:s14], [sflag:$0x2], $0x2000, s8, s13, $0x20;
	[tilespmem:$0x8080] =	vst v63  }
.LBB1_5:
0x14: {  	s14 =	sadd.s32 $0x1, s9  }
0x15: {  	s12 =	sadd.s32 $0x1000, s10;
	s16 =	smov.u32 s10;
	p2 =	sgt.s32 s14, $0xC7  }
0x16: {  	s16 =	smov.u32 @p2 s12  }
0x17: {  	s14 =	simm.s32 @p2 $0x0;
	p2 =	sgt.s32 s16, $0xFFF  }
0x18: {  	s16 =	smov.u32 @p2 s2;
	p2 =	sne.s32 s11, s7  }
.Ltmp1:
0x19: {  	p1 =	slt.u32 s11, $0x2;
	(pc) =	sbr.rel @!p2 .LBB1_6-.Ltmp1, $4  }
0x1a: {  	s15 =	simm.s32 @!p1 $0x2  }
0x1b: {  	s13 =	smov.u32 s10;
	p0 =	por !p0, !p0;
	_ =	swait.ge @!p1 [sflag:s15], $0x2000  }
0x1c: {  	s12 =	smov.u32 s9;
	[sflag:s15] =	ssyncset.done @!p1 $0x0;
	s9 =	smov.u32 s14  }
0x1d: {  	s11 =	sadd.s32 $0x1, s11;
	[sflag:s15] =	ssyncadd.s32 @!p1 $0xFFFFE000;
	s10 =	smov.u32 s16  }
.LBB1_1:
0x1e: {  	p1 =	sge.u32 s11, s5  }
0x1f: {  	s14 =	sand.u32 @!p1 $0x1FFFFFF, s9  }
0x20: {  	s15 =	smulhi.u32 @!p1 $0x147AE15, s14;
	_ =	sdelay $0x1  }
0x21: {  	s15 =	smul.u32 @!p1 $0xC8, s15  }
0x22: {  	s16 =	sxor.u32 @!p1 $0xFFFFFFFF, s11;
	s17 =	smul.u32 @!p1 $0xC80, s10  }
0x23: {  	s31 =	sadd.s32 $0xFFFFFFFF, s11;
	s16 =	sshll.u32 @!p1 s16, $0xD;
	s14 =	ssub.s32 @!p1 s14, s15  }
0x24: {  	s15 =	sand.u32 @!p1 $0x2000, s16;
	s16 =	sadd.s32 @!p1 s6, s17;
	s14 =	sshll.u32 @!p1 s14, $0x4  }
0x25: {  	s17 =	simm.s32 @!p1 $0x6400;
	s14 =	sadd.s32 @!p1 s14, s16;
	s16 =	simm.s32 @!p1 $0x40  }
0x26: {  	[tilespmem:s15], [sflag:$0x1] =	stream.strided.gather @!p1 [hbm4b:s14+s16], $0x2000, s17, s16, $0x38;
	[tilespmem:$0x8080] =	vst v63  }
0x27: {  	p1 =	sge.u32 s31, s5  }
.Ltmp2:
0x28: {  	_ = 	snop;
	(pc) =	sbr.rel @p1 .LBB1_5-.Ltmp2, $1  }
0x29: {  	_ =	sdelay $0x3  }
0x2a: {  	s14 =	simm.s32 $0x1  }
0x2b: {  	_ =	swait.ge [sflag:s4], $0x2000;
	s14 =	simm.s32 @!p0 $0x0  }
0x2c: {  	[sflag:s4] =	ssyncset.done $0x0;
	s15 =	sshll.u32 s14, $0xD  }
0x2d: {  	[sflag:s4] =	ssyncadd.s32 $0xFFFFE000;
	s18 =	sor.u32 $0x20, s15  }
0x2e: {  	s14 =	smul.u32 $0x8100, s14;
	v3 =	vld [tilespmem:s18+$0x10]  }
0x2f: {  	s30 =	sand.u32 $0x1, s11;
	v2 =	vld [tilespmem:s18+$0xFFFFFFF0]  }
0x30: {  	s15 =	smul.u32 $0x8100, s30;
	s14 =	sshrl.u32 s14, $0x2;
	v0 =	vld [tilespmem:s18+$0x0]  }
0x31: {  	v1 =	vld [tilespmem:s18+$0xFFFFFFE0];
	s16 =	sor.u32 $0x4000, s14  }
0x32: {  	s31 =	sshrl.u32 s15, $0x2;
	s15 =	sadd.s32 $0x0, s16  }
0x33: {  	s17 =	simm.s32 $0x4;
	s18 =	sadd.s32 $0x40, s18;
	s14 =	sor.u32 $0x4000, s31;
	[tilespmem:s15+$0x1830 ss:$0x81] =	vst.msk $0xffff, v3  }
.LBB1_3:
0x34: {  	v3 =	vld [tilespmem:s18+$0x10];
	p1 =	sne.s32 s17, $0x1FC;
	[tilespmem:s15+$0x810 ss:$0x81] =	vst.msk $0xffff, v2;
	s19 =	smov.u32 s17;
	s17 =	sadd.s32 $0x4, s17  }
.Ltmp3:
0x35: {  	v2 =	vld [tilespmem:s18+$0xFFFFFFF0];
	[tilespmem:s15+$0x1020 ss:$0x81] =	vst.msk $0xffff, v0;
	(pc) =	sbr.rel @p1 .LBB1_3-.Ltmp3, $4  }
0x36: {  	v0 =	vld [tilespmem:s18+$0x0];
	[tilespmem:s15+$0x0 ss:$0x81] =	vst.msk $0xffff, v1  }
0x37: {  	s15 =	sshra.s32 s19, $0x2;
	v1 =	vld [tilespmem:s18+$0xFFFFFFE0]  }
0x38: {  	s15 =	sadd.s32 s15, s16  }
0x39: {  	s18 =	sadd.s32 $0x40, s18;
	[tilespmem:s15+$0x1830 ss:$0x81] =	vst.msk $0xffff, v3  }
.Ltmp4:
0x3a: {  	_ = 	snop;
	(pc) =	sbr.rel .LBB1_4-.Ltmp4, $1  }
0x3b: {  	_ =	sdelay $0x3  }
.LBB1_6:
0x3c: {  	_ =	sfence.sel $0x180000  }
0x3d: {  	s2 =	simm.s32 $0x1;
	[bflag:$0x0] =	sbarrier.arrive $0xFFFF  }
0x3e: {  	s31 =	simm.s32 $0x2;
	[sflag:s2] =	ssyncpa.u1 $0x1  }
0x3f: {  	[sflag:s31] =	ssyncpa.u1 $0x1  }
0x40: {  	p0 =	sne.s32 s0, $0x0;
	_ =	strace $0x9000004A  }
0x41: {  	s0 =	sadd.s32 @!p0 $0x100000, s1;
	[bflag:$0x2] =	sbarrier.arrive $0xFFFF  }
0x42: {  	[sflag:s0] =	ssyncadd.tile.s32 @!p0 $0x1;
	_ =	shalt  }
.Lfunc_end1:
_tile_overlayer_lowered:
.L_overlay_start_2:
0x43: {  	(tag) =	ssettag $0x2  }
0x44: {  	s0 =	rddreg [dreg:$0x0];
	s2 =	stileid.u32  }
0x45: {  	s1 =	rddreg [dreg:$0x1];
	p0 =	sne.s32 s2, $0x0  }
0x46: {  	s3 =	rddreg [dreg:$0x2];
	[bflag:$0x3] =	sbarrier.arrive $0xFFFF;
	s2 =	simm.s32 @!p0 $0x1C01  }
0x47: {  	[timem:s3], [sflag:s2] =	dma.local @!p0 [hbm:s0], s1  }
0x48: {  	s0 =	simm.s32 @!p0 $0x1  }
0x49: {  	_ =	swait.ge @!p0 [sflag:s0], s1  }
0x4a: {  	s1 =	ssub.s32 @!p0 $0x0, s1;
	[sflag:s0] =	ssyncset.done @!p0 $0x0  }
0x4b: {  	[sflag:s0] =	ssyncadd.s32 @!p0 s1  }
0x4c: {  	[bflag:$0x3] =	sbarrier.arrive $0xFFFF  }
0x4d: {  	_ =	shalt  }

</sc_bundles>
